<compile_context>
chip_gen: v7x
topology: tpu7x:2x2x1
jax: 0.10.2.dev20260603
libtpu: 0.0.44.dev20260713+nightly
codegen_flags: <defaults>
</compile_context>

<pallas_src>
import functools

import jax
import jax.numpy as jnp
from jax import lax
from jax.experimental import pallas as pl
from jax.experimental.pallas import tpu as pltpu
from jax.experimental.pallas import tpu_sc as plsc

_BATCH = 16384
_CNT = 8192
_DIM = 128
_NBINS = 512
_MAX_VAL = 2.0
_MIN_VAL = -2.0
_BIG = 99999
_IDXW = 16384

_TILE = 512
_NT = _CNT // _TILE


def _dmat_minkeys_kernel(a_ref, p_ref, rowk_ref, colk_ref, posd_ref,
                         posb_ref):
    i = pl.program_id(0)
    j = pl.program_id(1)

    a = a_ref[...]
    p = p_ref[...]
    a_s = jnp.where(a > 0, 1.0, -1.0).astype(jnp.bfloat16)
    p_s = jnp.where(p > 0, 1.0, -1.0).astype(jnp.bfloat16)
    dot = lax.dot_general(a_s, p_s, (((1,), (1,)), ((), ())),
                          preferred_element_type=jnp.float32)
    h = ((_DIM - dot) * 0.5).astype(jnp.int32)

    rl = lax.broadcasted_iota(jnp.int32, (_TILE, _TILE), 0)
    cl = lax.broadcasted_iota(jnp.int32, (_TILE, _TILE), 1)
    r = rl + i * _TILE
    c = cl + j * _TILE
    v = h + jnp.where(r == c, _BIG, 0)
    v = jnp.where(v < 2, _BIG, v)

    keys_row = v * _IDXW + c
    keys_col = v * _IDXW + r

    part_row = jnp.min(keys_row, axis=1).reshape(1, _TILE)
    part_col = jnp.min(keys_col, axis=0).reshape(1, _TILE)

    @pl.when(j == 0)
    def _():
        rowk_ref[pl.ds(i, 1), :] = part_row

    @pl.when(j > 0)
    def _():
        rowk_ref[pl.ds(i, 1), :] = jnp.minimum(rowk_ref[pl.ds(i, 1), :],
                                               part_row)

    @pl.when(i == 0)
    def _():
        colk_ref[pl.ds(j, 1), :] = part_col

    @pl.when(i > 0)
    def _():
        colk_ref[pl.ds(j, 1), :] = jnp.minimum(colk_ref[pl.ds(j, 1), :],
                                               part_col)

    @pl.when(i == j)
    def _():
        posd_ref[pl.ds(i, 1), :] = jnp.sum(a * p, axis=1).reshape(1, _TILE)
        diag = jnp.sum(jnp.where(rl == cl, dot, 0.0), axis=1)
        posb_ref[pl.ds(i, 1), :] = diag.reshape(1, _TILE)


def _run_phase_a(x):
    a0 = x[:_CNT]
    p0 = x[_CNT:]
    out_shapes = (
        jax.ShapeDtypeStruct((_NT, _TILE), jnp.int32),
        jax.ShapeDtypeStruct((_NT, _TILE), jnp.int32),
        jax.ShapeDtypeStruct((_NT, _TILE), jnp.float32),
        jax.ShapeDtypeStruct((_NT, _TILE), jnp.float32),
    )
    full = pl.BlockSpec((_NT, _TILE), lambda i, j: (0, 0))
    rowk, colk, posd, posb = pl.pallas_call(
        _dmat_minkeys_kernel,
        grid=(_NT, _NT),
        in_specs=[
            pl.BlockSpec((_TILE, _DIM), lambda i, j: (i, 0)),
            pl.BlockSpec((_TILE, _DIM), lambda i, j: (j, 0)),
        ],
        out_specs=(full, full, full, full),
        out_shape=out_shapes,
        compiler_params=pltpu.CompilerParams(
            dimension_semantics=("arbitrary", "arbitrary")),
    )(a0, p0)
    return rowk.reshape(_CNT), colk.reshape(_CNT), posd, posb



_NWORK = 32
_PPW = _CNT // _NWORK


def _gather_neg_sc_kernel(x_hbm, rowk_hbm, colk_hbm, negrows_hbm,
                          rowk_v, colk_v, nidx_v, nrow_v, sem):
    cid = lax.axis_index("c")
    sid = lax.axis_index("s")
    wid = cid * 16 + sid
    base = wid * _PPW

    pltpu.sync_copy(rowk_hbm.at[pl.ds(base, _PPW)], rowk_v)
    pltpu.sync_copy(colk_hbm.at[pl.ds(base, _PPW)], colk_v)

    for t in range(_PPW // 16):
        rk = rowk_v[pl.ds(t * 16, 16)]
        ck = colk_v[pl.ds(t * 16, 16)]
        minp = rk >> 14
        mpidx = rk & (_IDXW - 1)
        mina = ck >> 14
        maidx = ck & (_IDXW - 1)
        nidx = jnp.where(mina < minp, maidx, mpidx + _CNT)
        nidx_v[t // 8, pl.ds((t % 8) * 16, 16)] = nidx

    cps = [
        pltpu.async_copy(x_hbm.at[nidx_v.at[q]],
                         nrow_v.at[pl.ds(q * 128, 128)], sem)
        for q in range(2)
    ]
    for cp in cps:
        cp.wait()

    pltpu.sync_copy(nrow_v, negrows_hbm.at[pl.ds(base, _PPW)])


def _run_phase_b(x, rowk, colk):
    mesh = plsc.VectorSubcoreMesh(core_axis_name="c", subcore_axis_name="s")
    kfn = functools.partial(
        pl.kernel,
        mesh=mesh,
        out_type=jax.ShapeDtypeStruct((_CNT, _DIM), jnp.float32),
        scratch_types=[
            pltpu.VMEM((_PPW,), jnp.int32),
            pltpu.VMEM((_PPW,), jnp.int32),
            pltpu.VMEM((2, 128), jnp.int32),
            pltpu.VMEM((_PPW, _DIM), jnp.float32),
            pltpu.SemaphoreType.DMA,
        ],
    )(_gather_neg_sc_kernel)
    return kfn(x, rowk, colk)



_CH = 128
_NCHUNK = _CNT // _CH


def _loss_kernel(x_ref, neg_ref, rowk_ref, colk_ref, posd_ref, posb_ref,
                 out_ref, negdist_ref, lo_ref):
    bins = lax.broadcasted_iota(jnp.int32, (1, _NBINS), 1)
    bin_width = (_MAX_VAL - _MIN_VAL) / (_NBINS - 1)

    def hist_body(t, hist):
        s = pl.ds(t * _CH, _CH)
        a0c = x_ref[s, :]
        p0c = x_ref[pl.ds(_CNT + t * _CH, _CH), :]
        negc = neg_ref[s, :]
        minp = rowk_ref[s, :] >> 14
        mina = colk_ref[s, :] >> 14
        mask = mina < minp
        anchor = jnp.where(mask, p0c, a0c)
        neg_dot = jnp.sum(anchor * negc, axis=1, keepdims=True)
        bcnt = jnp.sum(jnp.where((anchor > 0) == (negc > 0), 1.0, 0.0),
                       axis=1, keepdims=True)
        neg_bdot = 2.0 * bcnt - _DIM
        neg_dist = (_DIM - neg_dot) * (1.0 / _DIM)
        neg_b = (_DIM - neg_bdot) * (1.0 / _DIM)
        pos_b = (_DIM - posb_ref[s, :]) * (1.0 / _DIM)
        hist_var = pos_b - neg_b
        lo = jnp.floor((hist_var - _MIN_VAL) / bin_width).astype(jnp.int32)
        alpha = 1.0 - (hist_var - _MIN_VAL -
                       lo.astype(jnp.float32) * bin_width) / bin_width
        hi = jnp.clip(lo + 1, 0, _NBINS - 1)
        negdist_ref[s, :] = neg_dist
        lo_ref[s, :] = lo
        contrib = (jnp.where(bins == lo, alpha, 0.0) +
                   jnp.where(bins == hi, 1.0 - alpha, 0.0))
        return hist + jnp.sum(contrib, axis=0, keepdims=True)

    hist = lax.fori_loop(0, _NCHUNK, hist_body,
                         jnp.zeros((1, _NBINS), jnp.float32))
    pdf = hist / jnp.sum(hist)

    def loss_body(t, carry):
        s_pos, s_neg = carry
        s = pl.ds(t * _CH, _CH)
        lo = lo_ref[s, :]
        w = jnp.sum(jnp.where(bins <= lo, pdf, 0.0), axis=1, keepdims=True)
        pos_dist = (_DIM - posd_ref[s, :]) * (1.0 / _DIM)
        return (s_pos + jnp.sum(pos_dist * w, keepdims=True).reshape(1, 1),
                s_neg + jnp.sum(negdist_ref[s, :] * w,
                                keepdims=True).reshape(1, 1))

    zero11 = jnp.zeros((1, 1), jnp.float32)
    s_pos, s_neg = lax.fori_loop(0, _NCHUNK, loss_body, (zero11, zero11))
    out_ref[...] = (s_pos - s_neg) * (1.0 / _CNT)


def _run_phase_c(x, negrows, rowk, colk, posd, posb):
    def col(v, dt):
        return v.reshape(_CNT, 1).astype(dt)

    out = pl.pallas_call(
        _loss_kernel,
        in_specs=[
            pl.BlockSpec((_BATCH, _DIM), lambda: (0, 0)),
            pl.BlockSpec((_CNT, _DIM), lambda: (0, 0)),
            pl.BlockSpec((_CNT, 1), lambda: (0, 0)),
            pl.BlockSpec((_CNT, 1), lambda: (0, 0)),
            pl.BlockSpec((_CNT, 1), lambda: (0, 0)),
            pl.BlockSpec((_CNT, 1), lambda: (0, 0)),
        ],
        out_specs=pl.BlockSpec((1, 1), lambda: (0, 0)),
        out_shape=jax.ShapeDtypeStruct((1, 1), jnp.float32),
        scratch_shapes=[
            pltpu.VMEM((_CNT, 1), jnp.float32),
            pltpu.VMEM((_CNT, 1), jnp.int32),
        ],
    )(x, negrows, col(rowk, jnp.int32), col(colk, jnp.int32),
      col(posd, jnp.float32), col(posb, jnp.float32))
    return out.reshape(())


def kernel(x):
    rowk, colk, posd, posb = _run_phase_a(x)
    negrows = _run_phase_b(x, rowk, colk)
    return _run_phase_c(x, negrows, rowk, colk, posd, posb)

# --- scband reference (transcript-rebuilt; emitter-appended) ---
"""Pipeline reference for scband-dynamic-soft-margin-loss-25056839205932 (READ-ONLY COPY).

The authoritative reference and input builder live on the scoring server;
editing this copy changes nothing except your own understanding.
"""

import jax, jax.numpy as jnp
import numpy as np

BATCH = 16384
DIM = 128
NBINS = 512
MAX_VAL = 2.0
MIN_VAL = -2.0


def setup_inputs(seed: int = 0) -> dict:
    key = jax.random.key(seed)
    x = jax.random.normal(key, (BATCH, DIM), dtype=jnp.float32)
    return {"x": x}


def _binarize(v):
    return (v > 0).astype(jnp.float32) * 2.0 - 1.0


def _find_hard_negatives(dmat, empirical_thresh):
    cnt = dmat.shape[0]
    dmat = dmat + jnp.eye(cnt, dtype=dmat.dtype) * 99999.0
    dmat = jnp.where(dmat < empirical_thresh, 99999.0, dmat)
    min_a = jnp.min(dmat, axis=0)
    min_a_idx = jnp.argmin(dmat, axis=0)
    min_p = jnp.min(dmat, axis=1)
    min_p_idx = jnp.argmin(dmat, axis=1)
    mask = min_a < min_p
    perm = jnp.argsort(~mask, stable=True)
    pmask = mask[perm]
    a_idx = jnp.where(pmask, perm + cnt, perm)
    p_idx = jnp.where(pmask, perm, perm + cnt)
    n_idx = jnp.where(pmask, min_a_idx[perm], min_p_idx[perm] + cnt)
    return a_idx, p_idx, n_idx


def _loss_from_indices(x, a_idx, p_idx, n_idx):
    ndims = x.shape[1]
    a = x[a_idx]
    p = x[p_idx]
    n = x[n_idx]
    pos_dist = (1.0 - a * p).sum(axis=1) / ndims
    neg_dist = (1.0 - a * n).sum(axis=1) / ndims
    a_b = _binarize(a)
    p_b = _binarize(p)
    n_b = _binarize(n)
    pos_dist_b = (1.0 - a_b * p_b).sum(axis=1) / ndims
    neg_dist_b = (1.0 - a_b * n_b).sum(axis=1) / ndims
    # histogram update (first call: momentum = 1.0, buffer fully replaced),
    # mirrors torch detach on the histogram statistics
    hist_var = jax.lax.stop_gradient(pos_dist_b - neg_dist_b)
    bin_width = (MAX_VAL - MIN_VAL) / (NBINS - 1)
    lo = jnp.floor((hist_var - MIN_VAL) / bin_width).astype(jnp.int32)
    hi = jnp.clip(lo + 1, 0, NBINS - 1)
    alpha = 1.0 - (hist_var - MIN_VAL - lo.astype(jnp.float32) * bin_width) / bin_width
    hist = jnp.zeros(NBINS, dtype=jnp.float32).at[lo].add(alpha).at[hi].add(1.0 - alpha)
    hist = hist / (hist.sum() + 1e-06)
    histogram = hist  # (1 - 1.0) * ones + 1.0 * hist on first forward
    PDF = histogram / histogram.sum()
    CDF = jnp.cumsum(PDF)
    bin_idx = lo  # floor((hist_var - min_val) / bin_width)
    weight = CDF[bin_idx]
    loss = -(neg_dist * weight).mean() + (pos_dist * weight).mean()
    return loss


def reference(x):
    cnt = x.shape[0] // 2
    ndims = x.shape[1]
    a0 = x[:cnt, :]
    p0 = x[cnt:, :]
    dmat = (ndims - _binarize(a0) @ _binarize(p0).T) * 0.5
    a_idx, p_idx, n_idx = _find_hard_negatives(dmat, 2.0)
    return _loss_from_indices(x, a_idx, p_idx, n_idx)

if __name__ == "__main__":
    import jax
    _d = setup_inputs()
    print(jax.jit(kernel)(*tuple(_d.values())))

</pallas_src>

<mosaic_0001>
#map = affine_map<(d0, d1) -> (0, 0)>
#map1 = affine_map<(d0, d1) -> (0)>
module attributes {stable_mosaic.version = 14 : i64} {
  func.func @_gather_neg_sc_kernel(%arg0: i32, %arg1: i32, %arg2: memref<16384x128xf32, #tpu.memory_space<hbm>>, %arg3: memref<8192xi32, #tpu.memory_space<hbm>>, %arg4: memref<8192xi32, #tpu.memory_space<hbm>>, %arg5: memref<8192x128xf32, #tpu.memory_space<hbm>>, %arg6: memref<256xi32, #tpu.memory_space<vmem>>, %arg7: memref<256xi32, #tpu.memory_space<vmem>>, %arg8: memref<2x128xi32, #tpu.memory_space<vmem>>, %arg9: memref<256x128xf32, #tpu.memory_space<vmem>>, %arg10: memref<!tpu.dma_semaphore, #tpu.memory_space<semaphore_mem>>) attributes {dimension_semantics = [#tpu.dimension_semantics<core_parallel>, #tpu.dimension_semantics<subcore_parallel>], iteration_bounds = array<i64: 2, 16>, scalar_prefetch = 0 : i64, scratch_operands = 5 : i64, tpu.core_type = #tpu.core_type<sc_vector_subcore>, window_params = [{transform_indices = #map}, {transform_indices = #map1}, {transform_indices = #map1}, {transform_indices = #map}]} {
    %mul3A = arith.constant 16 : i32
    %mul3A_0 = arith.muli %arg0, %mul3A : i32
    %add3A = arith.addi %mul3A_0, %arg1 : i32
    %mul3A_1 = arith.constant 256 : i32
    %mul3A_2 = arith.muli %add3A, %mul3A_1 : i32
    "tpu.region"() ({
      %run_scoped3A = tpu.sem_alloc : memref<!tpu.dma_semaphore, #tpu.memory_space<semaphore_mem>>
      %dma_start3A_499 = tpu.memref_slice %arg3[%mul3A_2] : memref<8192xi32, #tpu.memory_space<hbm>> -> memref<256xi32, #tpu.memory_space<hbm>>
      %dma_start3A_500 = tpu.memref_slice %arg3[%mul3A_2] : memref<8192xi32, #tpu.memory_space<hbm>> -> memref<256xi32, #tpu.memory_space<hbm>>
      tpu.enqueue_dma source(%dma_start3A_500 : memref<256xi32, #tpu.memory_space<hbm>>) target(%arg6 : memref<256xi32, #tpu.memory_space<vmem>>) target_semaphore(%run_scoped3A : memref<!tpu.dma_semaphore, #tpu.memory_space<semaphore_mem>>)
      %dma_wait3A_501 = tpu.memref_slice %arg3[%mul3A_2] : memref<8192xi32, #tpu.memory_space<hbm>> -> memref<256xi32, #tpu.memory_space<hbm>>
      %dma_wait3A_502 = tpu.memref_slice %arg3[%mul3A_2] : memref<8192xi32, #tpu.memory_space<hbm>> -> memref<256xi32, #tpu.memory_space<hbm>>
      tpu.wait_dma2 semaphore(%run_scoped3A : memref<!tpu.dma_semaphore, #tpu.memory_space<semaphore_mem>>) src(%dma_wait3A_502 : memref<256xi32, #tpu.memory_space<hbm>>) dst(%arg6 : memref<256xi32, #tpu.memory_space<vmem>>)
      tpu.yield
    }) : () -> ()
    "tpu.region"() ({
      %run_scoped3A = tpu.sem_alloc : memref<!tpu.dma_semaphore, #tpu.memory_space<semaphore_mem>>
      %dma_start3A_499 = tpu.memref_slice %arg4[%mul3A_2] : memref<8192xi32, #tpu.memory_space<hbm>> -> memref<256xi32, #tpu.memory_space<hbm>>
      %dma_start3A_500 = tpu.memref_slice %arg4[%mul3A_2] : memref<8192xi32, #tpu.memory_space<hbm>> -> memref<256xi32, #tpu.memory_space<hbm>>
      tpu.enqueue_dma source(%dma_start3A_500 : memref<256xi32, #tpu.memory_space<hbm>>) target(%arg7 : memref<256xi32, #tpu.memory_space<vmem>>) target_semaphore(%run_scoped3A : memref<!tpu.dma_semaphore, #tpu.memory_space<semaphore_mem>>)
      %dma_wait3A_501 = tpu.memref_slice %arg4[%mul3A_2] : memref<8192xi32, #tpu.memory_space<hbm>> -> memref<256xi32, #tpu.memory_space<hbm>>
      %dma_wait3A_502 = tpu.memref_slice %arg4[%mul3A_2] : memref<8192xi32, #tpu.memory_space<hbm>> -> memref<256xi32, #tpu.memory_space<hbm>>
      tpu.wait_dma2 semaphore(%run_scoped3A : memref<!tpu.dma_semaphore, #tpu.memory_space<semaphore_mem>>) src(%dma_wait3A_502 : memref<256xi32, #tpu.memory_space<hbm>>) dst(%arg7 : memref<256xi32, #tpu.memory_space<vmem>>)
      tpu.yield
    }) : () -> ()
    %get3A = arith.constant 0 : index
    %get3A_3 = tpu.vector_load %arg6[%get3A] {strides = array<i32>} : memref<256xi32, #tpu.memory_space<vmem>>, vector<16xi32>,
    %get3A_4 = vector.shape_cast %get3A_3 : vector<16xi32> to vector<16xi32>
    %get3A_5 = arith.constant 0 : index
    %get3A_6 = tpu.vector_load %arg7[%get3A_5] {strides = array<i32>} : memref<256xi32, #tpu.memory_space<vmem>>, vector<16xi32>,
    %get3A_7 = vector.shape_cast %get3A_6 : vector<16xi32> to vector<16xi32>
    %shift_right_arithmetic3A = arith.constant 14 : i32
    %shift_right_arithmetic3A_8 = vector.broadcast %shift_right_arithmetic3A : i32 to vector<16xi32>
    %shift_right_arithmetic3A_9 = arith.shrsi %get3A_4, %shift_right_arithmetic3A_8 : vector<16xi32>
    %and3A = arith.constant 16383 : i32
    %and3A_10 = vector.broadcast %and3A : i32 to vector<16xi32>
    %and3A_11 = arith.andi %get3A_4, %and3A_10 : vector<16xi32>
    %shift_right_arithmetic3A_12 = arith.constant 14 : i32
    %shift_right_arithmetic3A_13 = vector.broadcast %shift_right_arithmetic3A_12 : i32 to vector<16xi32>
    %shift_right_arithmetic3A_14 = arith.shrsi %get3A_7, %shift_right_arithmetic3A_13 : vector<16xi32>
    %and3A_15 = arith.constant 16383 : i32
    %and3A_16 = vector.broadcast %and3A_15 : i32 to vector<16xi32>
    %and3A_17 = arith.andi %get3A_7, %and3A_16 : vector<16xi32>
    %lt3A = arith.cmpi slt, %shift_right_arithmetic3A_14, %shift_right_arithmetic3A_9 : vector<16xi32>
    %add3A_18 = arith.constant 8192 : i32
    %add3A_19 = vector.broadcast %add3A_18 : i32 to vector<16xi32>
    %add3A_20 = arith.addi %and3A_11, %add3A_19 : vector<16xi32>
    %select_n3A = arith.select %lt3A, %and3A_17, %add3A_20 : vector<16xi1>, vector<16xi32>
    %swap3A = arith.constant 0 : i32
    %swap3A_21 = arith.index_cast %swap3A : i32 to index
    %swap3A_22 = arith.constant 0 : index
    %swap3A_23 = tpu.vector_load %arg8[%swap3A_21, %swap3A_22] {strides = array<i32>} : memref<2x128xi32, #tpu.memory_space<vmem>>, vector<1x16xi32>,
    %swap3A_24 = vector.shape_cast %swap3A_23 : vector<1x16xi32> to vector<16xi32>
    %swap3A_25 = vector.shape_cast %select_n3A : vector<16xi32> to vector<1x16xi32>
    tpu.vector_store %arg8[%swap3A_21, %swap3A_22], %swap3A_25 {strides = array<i32>} : memref<2x128xi32, #tpu.memory_space<vmem>>, vector<1x16xi32>,
    %get3A_26 = arith.constant 16 : index
    %get3A_27 = tpu.vector_load %arg6[%get3A_26] {strides = array<i32>} : memref<256xi32, #tpu.memory_space<vmem>>, vector<16xi32>,
    %get3A_28 = vector.shape_cast %get3A_27 : vector<16xi32> to vector<16xi32>
    %get3A_29 = arith.constant 16 : index
    %get3A_30 = tpu.vector_load %arg7[%get3A_29] {strides = array<i32>} : memref<256xi32, #tpu.memory_space<vmem>>, vector<16xi32>,
    %get3A_31 = vector.shape_cast %get3A_30 : vector<16xi32> to vector<16xi32>
    %shift_right_arithmetic3A_32 = arith.constant 14 : i32
    %shift_right_arithmetic3A_33 = vector.broadcast %shift_right_arithmetic3A_32 : i32 to vector<16xi32>
    %shift_right_arithmetic3A_34 = arith.shrsi %get3A_28, %shift_right_arithmetic3A_33 : vector<16xi32>
    %and3A_35 = arith.constant 16383 : i32
    %and3A_36 = vector.broadcast %and3A_35 : i32 to vector<16xi32>
    %and3A_37 = arith.andi %get3A_28, %and3A_36 : vector<16xi32>
    %shift_right_arithmetic3A_38 = arith.constant 14 : i32
    %shift_right_arithmetic3A_39 = vector.broadcast %shift_right_arithmetic3A_38 : i32 to vector<16xi32>
    %shift_right_arithmetic3A_40 = arith.shrsi %get3A_31, %shift_right_arithmetic3A_39 : vector<16xi32>
    %and3A_41 = arith.constant 16383 : i32
    %and3A_42 = vector.broadcast %and3A_41 : i32 to vector<16xi32>
    %and3A_43 = arith.andi %get3A_31, %and3A_42 : vector<16xi32>
    %lt3A_44 = arith.cmpi slt, %shift_right_arithmetic3A_40, %shift_right_arithmetic3A_34 : vector<16xi32>
    %add3A_45 = arith.constant 8192 : i32
    %add3A_46 = vector.broadcast %add3A_45 : i32 to vector<16xi32>
    %add3A_47 = arith.addi %and3A_37, %add3A_46 : vector<16xi32>
    %select_n3A_48 = arith.select %lt3A_44, %and3A_43, %add3A_47 : vector<16xi1>, vector<16xi32>
    %swap3A_49 = arith.constant 0 : i32
    %swap3A_50 = arith.index_cast %swap3A_49 : i32 to index
    %swap3A_51 = arith.constant 16 : index
    %swap3A_52 = tpu.vector_load %arg8[%swap3A_50, %swap3A_51] {strides = array<i32>} : memref<2x128xi32, #tpu.memory_space<vmem>>, vector<1x16xi32>,
    %swap3A_53 = vector.shape_cast %swap3A_52 : vector<1x16xi32> to vector<16xi32>
    %swap3A_54 = vector.shape_cast %select_n3A_48 : vector<16xi32> to vector<1x16xi32>
    tpu.vector_store %arg8[%swap3A_50, %swap3A_51], %swap3A_54 {strides = array<i32>} : memref<2x128xi32, #tpu.memory_space<vmem>>, vector<1x16xi32>,
    %get3A_55 = arith.constant 32 : index
    %get3A_56 = tpu.vector_load %arg6[%get3A_55] {strides = array<i32>} : memref<256xi32, #tpu.memory_space<vmem>>, vector<16xi32>,
    %get3A_57 = vector.shape_cast %get3A_56 : vector<16xi32> to vector<16xi32>
    %get3A_58 = arith.constant 32 : index
    %get3A_59 = tpu.vector_load %arg7[%get3A_58] {strides = array<i32>} : memref<256xi32, #tpu.memory_space<vmem>>, vector<16xi32>,
    %get3A_60 = vector.shape_cast %get3A_59 : vector<16xi32> to vector<16xi32>
    %shift_right_arithmetic3A_61 = arith.constant 14 : i32
    %shift_right_arithmetic3A_62 = vector.broadcast %shift_right_arithmetic3A_61 : i32 to vector<16xi32>
    %shift_right_arithmetic3A_63 = arith.shrsi %get3A_57, %shift_right_arithmetic3A_62 : vector<16xi32>
    %and3A_64 = arith.constant 16383 : i32
    %and3A_65 = vector.broadcast %and3A_64 : i32 to vector<16xi32>
    %and3A_66 = arith.andi %get3A_57, %and3A_65 : vector<16xi32>
    %shift_right_arithmetic3A_67 = arith.constant 14 : i32
    %shift_right_arithmetic3A_68 = vector.broadcast %shift_right_arithmetic3A_67 : i32 to vector<16xi32>
    %shift_right_arithmetic3A_69 = arith.shrsi %get3A_60, %shift_right_arithmetic3A_68 : vector<16xi32>
    %and3A_70 = arith.constant 16383 : i32
    %and3A_71 = vector.broadcast %and3A_70 : i32 to vector<16xi32>
    %and3A_72 = arith.andi %get3A_60, %and3A_71 : vector<16xi32>
    %lt3A_73 = arith.cmpi slt, %shift_right_arithmetic3A_69, %shift_right_arithmetic3A_63 : vector<16xi32>
    %add3A_74 = arith.constant 8192 : i32
    %add3A_75 = vector.broadcast %add3A_74 : i32 to vector<16xi32>
    %add3A_76 = arith.addi %and3A_66, %add3A_75 : vector<16xi32>
    %select_n3A_77 = arith.select %lt3A_73, %and3A_72, %add3A_76 : vector<16xi1>, vector<16xi32>
    %swap3A_78 = arith.constant 0 : i32
    %swap3A_79 = arith.index_cast %swap3A_78 : i32 to index
    %swap3A_80 = arith.constant 32 : index
    %swap3A_81 = tpu.vector_load %arg8[%swap3A_79, %swap3A_80] {strides = array<i32>} : memref<2x128xi32, #tpu.memory_space<vmem>>, vector<1x16xi32>,
    %swap3A_82 = vector.shape_cast %swap3A_81 : vector<1x16xi32> to vector<16xi32>
    %swap3A_83 = vector.shape_cast %select_n3A_77 : vector<16xi32> to vector<1x16xi32>
    tpu.vector_store %arg8[%swap3A_79, %swap3A_80], %swap3A_83 {strides = array<i32>} : memref<2x128xi32, #tpu.memory_space<vmem>>, vector<1x16xi32>,
    %get3A_84 = arith.constant 48 : index
    %get3A_85 = tpu.vector_load %arg6[%get3A_84] {strides = array<i32>} : memref<256xi32, #tpu.memory_space<vmem>>, vector<16xi32>,
    %get3A_86 = vector.shape_cast %get3A_85 : vector<16xi32> to vector<16xi32>
    %get3A_87 = arith.constant 48 : index
    %get3A_88 = tpu.vector_load %arg7[%get3A_87] {strides = array<i32>} : memref<256xi32, #tpu.memory_space<vmem>>, vector<16xi32>,
    %get3A_89 = vector.shape_cast %get3A_88 : vector<16xi32> to vector<16xi32>
    %shift_right_arithmetic3A_90 = arith.constant 14 : i32
    %shift_right_arithmetic3A_91 = vector.broadcast %shift_right_arithmetic3A_90 : i32 to vector<16xi32>
    %shift_right_arithmetic3A_92 = arith.shrsi %get3A_86, %shift_right_arithmetic3A_91 : vector<16xi32>
    %and3A_93 = arith.constant 16383 : i32
    %and3A_94 = vector.broadcast %and3A_93 : i32 to vector<16xi32>
    %and3A_95 = arith.andi %get3A_86, %and3A_94 : vector<16xi32>
    %shift_right_arithmetic3A_96 = arith.constant 14 : i32
    %shift_right_arithmetic3A_97 = vector.broadcast %shift_right_arithmetic3A_96 : i32 to vector<16xi32>
    %shift_right_arithmetic3A_98 = arith.shrsi %get3A_89, %shift_right_arithmetic3A_97 : vector<16xi32>
    %and3A_99 = arith.constant 16383 : i32
    %and3A_100 = vector.broadcast %and3A_99 : i32 to vector<16xi32>
    %and3A_101 = arith.andi %get3A_89, %and3A_100 : vector<16xi32>
    %lt3A_102 = arith.cmpi slt, %shift_right_arithmetic3A_98, %shift_right_arithmetic3A_92 : vector<16xi32>
    %add3A_103 = arith.constant 8192 : i32
    %add3A_104 = vector.broadcast %add3A_103 : i32 to vector<16xi32>
    %add3A_105 = arith.addi %and3A_95, %add3A_104 : vector<16xi32>
    %select_n3A_106 = arith.select %lt3A_102, %and3A_101, %add3A_105 : vector<16xi1>, vector<16xi32>
    %swap3A_107 = arith.constant 0 : i32
    %swap3A_108 = arith.index_cast %swap3A_107 : i32 to index
    %swap3A_109 = arith.constant 48 : index
    %swap3A_110 = tpu.vector_load %arg8[%swap3A_108, %swap3A_109] {strides = array<i32>} : memref<2x128xi32, #tpu.memory_space<vmem>>, vector<1x16xi32>,
    %swap3A_111 = vector.shape_cast %swap3A_110 : vector<1x16xi32> to vector<16xi32>
    %swap3A_112 = vector.shape_cast %select_n3A_106 : vector<16xi32> to vector<1x16xi32>
    tpu.vector_store %arg8[%swap3A_108, %swap3A_109], %swap3A_112 {strides = array<i32>} : memref<2x128xi32, #tpu.memory_space<vmem>>, vector<1x16xi32>,
    %get3A_113 = arith.constant 64 : index
    %get3A_114 = tpu.vector_load %arg6[%get3A_113] {strides = array<i32>} : memref<256xi32, #tpu.memory_space<vmem>>, vector<16xi32>,
    %get3A_115 = vector.shape_cast %get3A_114 : vector<16xi32> to vector<16xi32>
    %get3A_116 = arith.constant 64 : index
    %get3A_117 = tpu.vector_load %arg7[%get3A_116] {strides = array<i32>} : memref<256xi32, #tpu.memory_space<vmem>>, vector<16xi32>,
    %get3A_118 = vector.shape_cast %get3A_117 : vector<16xi32> to vector<16xi32>
    %shift_right_arithmetic3A_119 = arith.constant 14 : i32
    %shift_right_arithmetic3A_120 = vector.broadcast %shift_right_arithmetic3A_119 : i32 to vector<16xi32>
    %shift_right_arithmetic3A_121 = arith.shrsi %get3A_115, %shift_right_arithmetic3A_120 : vector<16xi32>
    %and3A_122 = arith.constant 16383 : i32
    %and3A_123 = vector.broadcast %and3A_122 : i32 to vector<16xi32>
    %and3A_124 = arith.andi %get3A_115, %and3A_123 : vector<16xi32>
    %shift_right_arithmetic3A_125 = arith.constant 14 : i32
    %shift_right_arithmetic3A_126 = vector.broadcast %shift_right_arithmetic3A_125 : i32 to vector<16xi32>
    %shift_right_arithmetic3A_127 = arith.shrsi %get3A_118, %shift_right_arithmetic3A_126 : vector<16xi32>
    %and3A_128 = arith.constant 16383 : i32
    %and3A_129 = vector.broadcast %and3A_128 : i32 to vector<16xi32>
    %and3A_130 = arith.andi %get3A_118, %and3A_129 : vector<16xi32>
    %lt3A_131 = arith.cmpi slt, %shift_right_arithmetic3A_127, %shift_right_arithmetic3A_121 : vector<16xi32>
    %add3A_132 = arith.constant 8192 : i32
    %add3A_133 = vector.broadcast %add3A_132 : i32 to vector<16xi32>
    %add3A_134 = arith.addi %and3A_124, %add3A_133 : vector<16xi32>
    %select_n3A_135 = arith.select %lt3A_131, %and3A_130, %add3A_134 : vector<16xi1>, vector<16xi32>
    %swap3A_136 = arith.constant 0 : i32
    %swap3A_137 = arith.index_cast %swap3A_136 : i32 to index
    %swap3A_138 = arith.constant 64 : index
    %swap3A_139 = tpu.vector_load %arg8[%swap3A_137, %swap3A_138] {strides = array<i32>} : memref<2x128xi32, #tpu.memory_space<vmem>>, vector<1x16xi32>,
    %swap3A_140 = vector.shape_cast %swap3A_139 : vector<1x16xi32> to vector<16xi32>
    %swap3A_141 = vector.shape_cast %select_n3A_135 : vector<16xi32> to vector<1x16xi32>
    tpu.vector_store %arg8[%swap3A_137, %swap3A_138], %swap3A_141 {strides = array<i32>} : memref<2x128xi32, #tpu.memory_space<vmem>>, vector<1x16xi32>,
    %get3A_142 = arith.constant 80 : index
    %get3A_143 = tpu.vector_load %arg6[%get3A_142] {strides = array<i32>} : memref<256xi32, #tpu.memory_space<vmem>>, vector<16xi32>,
    %get3A_144 = vector.shape_cast %get3A_143 : vector<16xi32> to vector<16xi32>
    %get3A_145 = arith.constant 80 : index
    %get3A_146 = tpu.vector_load %arg7[%get3A_145] {strides = array<i32>} : memref<256xi32, #tpu.memory_space<vmem>>, vector<16xi32>,
    %get3A_147 = vector.shape_cast %get3A_146 : vector<16xi32> to vector<16xi32>
    %shift_right_arithmetic3A_148 = arith.constant 14 : i32
    %shift_right_arithmetic3A_149 = vector.broadcast %shift_right_arithmetic3A_148 : i32 to vector<16xi32>
    %shift_right_arithmetic3A_150 = arith.shrsi %get3A_144, %shift_right_arithmetic3A_149 : vector<16xi32>
    %and3A_151 = arith.constant 16383 : i32
    %and3A_152 = vector.broadcast %and3A_151 : i32 to vector<16xi32>
    %and3A_153 = arith.andi %get3A_144, %and3A_152 : vector<16xi32>
    %shift_right_arithmetic3A_154 = arith.constant 14 : i32
    %shift_right_arithmetic3A_155 = vector.broadcast %shift_right_arithmetic3A_154 : i32 to vector<16xi32>
    %shift_right_arithmetic3A_156 = arith.shrsi %get3A_147, %shift_right_arithmetic3A_155 : vector<16xi32>
    %and3A_157 = arith.constant 16383 : i32
    %and3A_158 = vector.broadcast %and3A_157 : i32 to vector<16xi32>
    %and3A_159 = arith.andi %get3A_147, %and3A_158 : vector<16xi32>
    %lt3A_160 = arith.cmpi slt, %shift_right_arithmetic3A_156, %shift_right_arithmetic3A_150 : vector<16xi32>
    %add3A_161 = arith.constant 8192 : i32
    %add3A_162 = vector.broadcast %add3A_161 : i32 to vector<16xi32>
    %add3A_163 = arith.addi %and3A_153, %add3A_162 : vector<16xi32>
    %select_n3A_164 = arith.select %lt3A_160, %and3A_159, %add3A_163 : vector<16xi1>, vector<16xi32>
    %swap3A_165 = arith.constant 0 : i32
    %swap3A_166 = arith.index_cast %swap3A_165 : i32 to index
    %swap3A_167 = arith.constant 80 : index
    %swap3A_168 = tpu.vector_load %arg8[%swap3A_166, %swap3A_167] {strides = array<i32>} : memref<2x128xi32, #tpu.memory_space<vmem>>, vector<1x16xi32>,
    %swap3A_169 = vector.shape_cast %swap3A_168 : vector<1x16xi32> to vector<16xi32>
    %swap3A_170 = vector.shape_cast %select_n3A_164 : vector<16xi32> to vector<1x16xi32>
    tpu.vector_store %arg8[%swap3A_166, %swap3A_167], %swap3A_170 {strides = array<i32>} : memref<2x128xi32, #tpu.memory_space<vmem>>, vector<1x16xi32>,
    %get3A_171 = arith.constant 96 : index
    %get3A_172 = tpu.vector_load %arg6[%get3A_171] {strides = array<i32>} : memref<256xi32, #tpu.memory_space<vmem>>, vector<16xi32>,
    %get3A_173 = vector.shape_cast %get3A_172 : vector<16xi32> to vector<16xi32>
    %get3A_174 = arith.constant 96 : index
    %get3A_175 = tpu.vector_load %arg7[%get3A_174] {strides = array<i32>} : memref<256xi32, #tpu.memory_space<vmem>>, vector<16xi32>,
    %get3A_176 = vector.shape_cast %get3A_175 : vector<16xi32> to vector<16xi32>
    %shift_right_arithmetic3A_177 = arith.constant 14 : i32
    %shift_right_arithmetic3A_178 = vector.broadcast %shift_right_arithmetic3A_177 : i32 to vector<16xi32>
    %shift_right_arithmetic3A_179 = arith.shrsi %get3A_173, %shift_right_arithmetic3A_178 : vector<16xi32>
    %and3A_180 = arith.constant 16383 : i32
    %and3A_181 = vector.broadcast %and3A_180 : i32 to vector<16xi32>
    %and3A_182 = arith.andi %get3A_173, %and3A_181 : vector<16xi32>
    %shift_right_arithmetic3A_183 = arith.constant 14 : i32
    %shift_right_arithmetic3A_184 = vector.broadcast %shift_right_arithmetic3A_183 : i32 to vector<16xi32>
    %shift_right_arithmetic3A_185 = arith.shrsi %get3A_176, %shift_right_arithmetic3A_184 : vector<16xi32>
    %and3A_186 = arith.constant 16383 : i32
    %and3A_187 = vector.broadcast %and3A_186 : i32 to vector<16xi32>
    %and3A_188 = arith.andi %get3A_176, %and3A_187 : vector<16xi32>
    %lt3A_189 = arith.cmpi slt, %shift_right_arithmetic3A_185, %shift_right_arithmetic3A_179 : vector<16xi32>
    %add3A_190 = arith.constant 8192 : i32
    %add3A_191 = vector.broadcast %add3A_190 : i32 to vector<16xi32>
    %add3A_192 = arith.addi %and3A_182, %add3A_191 : vector<16xi32>
    %select_n3A_193 = arith.select %lt3A_189, %and3A_188, %add3A_192 : vector<16xi1>, vector<16xi32>
    %swap3A_194 = arith.constant 0 : i32
    %swap3A_195 = arith.index_cast %swap3A_194 : i32 to index
    %swap3A_196 = arith.constant 96 : index
    %swap3A_197 = tpu.vector_load %arg8[%swap3A_195, %swap3A_196] {strides = array<i32>} : memref<2x128xi32, #tpu.memory_space<vmem>>, vector<1x16xi32>,
    %swap3A_198 = vector.shape_cast %swap3A_197 : vector<1x16xi32> to vector<16xi32>
    %swap3A_199 = vector.shape_cast %select_n3A_193 : vector<16xi32> to vector<1x16xi32>
    tpu.vector_store %arg8[%swap3A_195, %swap3A_196], %swap3A_199 {strides = array<i32>} : memref<2x128xi32, #tpu.memory_space<vmem>>, vector<1x16xi32>,
    %get3A_200 = arith.constant 112 : index
    %get3A_201 = tpu.vector_load %arg6[%get3A_200] {strides = array<i32>} : memref<256xi32, #tpu.memory_space<vmem>>, vector<16xi32>,
    %get3A_202 = vector.shape_cast %get3A_201 : vector<16xi32> to vector<16xi32>
    %get3A_203 = arith.constant 112 : index
    %get3A_204 = tpu.vector_load %arg7[%get3A_203] {strides = array<i32>} : memref<256xi32, #tpu.memory_space<vmem>>, vector<16xi32>,
    %get3A_205 = vector.shape_cast %get3A_204 : vector<16xi32> to vector<16xi32>
    %shift_right_arithmetic3A_206 = arith.constant 14 : i32
    %shift_right_arithmetic3A_207 = vector.broadcast %shift_right_arithmetic3A_206 : i32 to vector<16xi32>
    %shift_right_arithmetic3A_208 = arith.shrsi %get3A_202, %shift_right_arithmetic3A_207 : vector<16xi32>
    %and3A_209 = arith.constant 16383 : i32
    %and3A_210 = vector.broadcast %and3A_209 : i32 to vector<16xi32>
    %and3A_211 = arith.andi %get3A_202, %and3A_210 : vector<16xi32>
    %shift_right_arithmetic3A_212 = arith.constant 14 : i32
    %shift_right_arithmetic3A_213 = vector.broadcast %shift_right_arithmetic3A_212 : i32 to vector<16xi32>
    %shift_right_arithmetic3A_214 = arith.shrsi %get3A_205, %shift_right_arithmetic3A_213 : vector<16xi32>
    %and3A_215 = arith.constant 16383 : i32
    %and3A_216 = vector.broadcast %and3A_215 : i32 to vector<16xi32>
    %and3A_217 = arith.andi %get3A_205, %and3A_216 : vector<16xi32>
    %lt3A_218 = arith.cmpi slt, %shift_right_arithmetic3A_214, %shift_right_arithmetic3A_208 : vector<16xi32>
    %add3A_219 = arith.constant 8192 : i32
    %add3A_220 = vector.broadcast %add3A_219 : i32 to vector<16xi32>
    %add3A_221 = arith.addi %and3A_211, %add3A_220 : vector<16xi32>
    %select_n3A_222 = arith.select %lt3A_218, %and3A_217, %add3A_221 : vector<16xi1>, vector<16xi32>
    %swap3A_223 = arith.constant 0 : i32
    %swap3A_224 = arith.index_cast %swap3A_223 : i32 to index
    %swap3A_225 = arith.constant 112 : index
    %swap3A_226 = tpu.vector_load %arg8[%swap3A_224, %swap3A_225] {strides = array<i32>} : memref<2x128xi32, #tpu.memory_space<vmem>>, vector<1x16xi32>,
    %swap3A_227 = vector.shape_cast %swap3A_226 : vector<1x16xi32> to vector<16xi32>
    %swap3A_228 = vector.shape_cast %select_n3A_222 : vector<16xi32> to vector<1x16xi32>
    tpu.vector_store %arg8[%swap3A_224, %swap3A_225], %swap3A_228 {strides = array<i32>} : memref<2x128xi32, #tpu.memory_space<vmem>>, vector<1x16xi32>,
    %get3A_229 = arith.constant 128 : index
    %get3A_230 = tpu.vector_load %arg6[%get3A_229] {strides = array<i32>} : memref<256xi32, #tpu.memory_space<vmem>>, vector<16xi32>,
    %get3A_231 = vector.shape_cast %get3A_230 : vector<16xi32> to vector<16xi32>
    %get3A_232 = arith.constant 128 : index
    %get3A_233 = tpu.vector_load %arg7[%get3A_232] {strides = array<i32>} : memref<256xi32, #tpu.memory_space<vmem>>, vector<16xi32>,
    %get3A_234 = vector.shape_cast %get3A_233 : vector<16xi32> to vector<16xi32>
    %shift_right_arithmetic3A_235 = arith.constant 14 : i32
    %shift_right_arithmetic3A_236 = vector.broadcast %shift_right_arithmetic3A_235 : i32 to vector<16xi32>
    %shift_right_arithmetic3A_237 = arith.shrsi %get3A_231, %shift_right_arithmetic3A_236 : vector<16xi32>
    %and3A_238 = arith.constant 16383 : i32
    %and3A_239 = vector.broadcast %and3A_238 : i32 to vector<16xi32>
    %and3A_240 = arith.andi %get3A_231, %and3A_239 : vector<16xi32>
    %shift_right_arithmetic3A_241 = arith.constant 14 : i32
    %shift_right_arithmetic3A_242 = vector.broadcast %shift_right_arithmetic3A_241 : i32 to vector<16xi32>
    %shift_right_arithmetic3A_243 = arith.shrsi %get3A_234, %shift_right_arithmetic3A_242 : vector<16xi32>
    %and3A_244 = arith.constant 16383 : i32
    %and3A_245 = vector.broadcast %and3A_244 : i32 to vector<16xi32>
    %and3A_246 = arith.andi %get3A_234, %and3A_245 : vector<16xi32>
    %lt3A_247 = arith.cmpi slt, %shift_right_arithmetic3A_243, %shift_right_arithmetic3A_237 : vector<16xi32>
    %add3A_248 = arith.constant 8192 : i32
    %add3A_249 = vector.broadcast %add3A_248 : i32 to vector<16xi32>
    %add3A_250 = arith.addi %and3A_240, %add3A_249 : vector<16xi32>
    %select_n3A_251 = arith.select %lt3A_247, %and3A_246, %add3A_250 : vector<16xi1>, vector<16xi32>
    %swap3A_252 = arith.constant 1 : i32
    %swap3A_253 = arith.index_cast %swap3A_252 : i32 to index
    %swap3A_254 = arith.constant 0 : index
    %swap3A_255 = tpu.vector_load %arg8[%swap3A_253, %swap3A_254] {strides = array<i32>} : memref<2x128xi32, #tpu.memory_space<vmem>>, vector<1x16xi32>,
    %swap3A_256 = vector.shape_cast %swap3A_255 : vector<1x16xi32> to vector<16xi32>
    %swap3A_257 = vector.shape_cast %select_n3A_251 : vector<16xi32> to vector<1x16xi32>
    tpu.vector_store %arg8[%swap3A_253, %swap3A_254], %swap3A_257 {strides = array<i32>} : memref<2x128xi32, #tpu.memory_space<vmem>>, vector<1x16xi32>,
    %get3A_258 = arith.constant 144 : index
    %get3A_259 = tpu.vector_load %arg6[%get3A_258] {strides = array<i32>} : memref<256xi32, #tpu.memory_space<vmem>>, vector<16xi32>,
    %get3A_260 = vector.shape_cast %get3A_259 : vector<16xi32> to vector<16xi32>
    %get3A_261 = arith.constant 144 : index
    %get3A_262 = tpu.vector_load %arg7[%get3A_261] {strides = array<i32>} : memref<256xi32, #tpu.memory_space<vmem>>, vector<16xi32>,
    %get3A_263 = vector.shape_cast %get3A_262 : vector<16xi32> to vector<16xi32>
    %shift_right_arithmetic3A_264 = arith.constant 14 : i32
    %shift_right_arithmetic3A_265 = vector.broadcast %shift_right_arithmetic3A_264 : i32 to vector<16xi32>
    %shift_right_arithmetic3A_266 = arith.shrsi %get3A_260, %shift_right_arithmetic3A_265 : vector<16xi32>
    %and3A_267 = arith.constant 16383 : i32
    %and3A_268 = vector.broadcast %and3A_267 : i32 to vector<16xi32>
    %and3A_269 = arith.andi %get3A_260, %and3A_268 : vector<16xi32>
    %shift_right_arithmetic3A_270 = arith.constant 14 : i32
    %shift_right_arithmetic3A_271 = vector.broadcast %shift_right_arithmetic3A_270 : i32 to vector<16xi32>
    %shift_right_arithmetic3A_272 = arith.shrsi %get3A_263, %shift_right_arithmetic3A_271 : vector<16xi32>
    %and3A_273 = arith.constant 16383 : i32
    %and3A_274 = vector.broadcast %and3A_273 : i32 to vector<16xi32>
    %and3A_275 = arith.andi %get3A_263, %and3A_274 : vector<16xi32>
    %lt3A_276 = arith.cmpi slt, %shift_right_arithmetic3A_272, %shift_right_arithmetic3A_266 : vector<16xi32>
    %add3A_277 = arith.constant 8192 : i32
    %add3A_278 = vector.broadcast %add3A_277 : i32 to vector<16xi32>
    %add3A_279 = arith.addi %and3A_269, %add3A_278 : vector<16xi32>
    %select_n3A_280 = arith.select %lt3A_276, %and3A_275, %add3A_279 : vector<16xi1>, vector<16xi32>
    %swap3A_281 = arith.constant 1 : i32
    %swap3A_282 = arith.index_cast %swap3A_281 : i32 to index
    %swap3A_283 = arith.constant 16 : index
    %swap3A_284 = tpu.vector_load %arg8[%swap3A_282, %swap3A_283] {strides = array<i32>} : memref<2x128xi32, #tpu.memory_space<vmem>>, vector<1x16xi32>,
    %swap3A_285 = vector.shape_cast %swap3A_284 : vector<1x16xi32> to vector<16xi32>
    %swap3A_286 = vector.shape_cast %select_n3A_280 : vector<16xi32> to vector<1x16xi32>
    tpu.vector_store %arg8[%swap3A_282, %swap3A_283], %swap3A_286 {strides = array<i32>} : memref<2x128xi32, #tpu.memory_space<vmem>>, vector<1x16xi32>,
    %get3A_287 = arith.constant 160 : index
    %get3A_288 = tpu.vector_load %arg6[%get3A_287] {strides = array<i32>} : memref<256xi32, #tpu.memory_space<vmem>>, vector<16xi32>,
    %get3A_289 = vector.shape_cast %get3A_288 : vector<16xi32> to vector<16xi32>
    %get3A_290 = arith.constant 160 : index
    %get3A_291 = tpu.vector_load %arg7[%get3A_290] {strides = array<i32>} : memref<256xi32, #tpu.memory_space<vmem>>, vector<16xi32>,
    %get3A_292 = vector.shape_cast %get3A_291 : vector<16xi32> to vector<16xi32>
    %shift_right_arithmetic3A_293 = arith.constant 14 : i32
    %shift_right_arithmetic3A_294 = vector.broadcast %shift_right_arithmetic3A_293 : i32 to vector<16xi32>
    %shift_right_arithmetic3A_295 = arith.shrsi %get3A_289, %shift_right_arithmetic3A_294 : vector<16xi32>
    %and3A_296 = arith.constant 16383 : i32
    %and3A_297 = vector.broadcast %and3A_296 : i32 to vector<16xi32>
    %and3A_298 = arith.andi %get3A_289, %and3A_297 : vector<16xi32>
    %shift_right_arithmetic3A_299 = arith.constant 14 : i32
    %shift_right_arithmetic3A_300 = vector.broadcast %shift_right_arithmetic3A_299 : i32 to vector<16xi32>
    %shift_right_arithmetic3A_301 = arith.shrsi %get3A_292, %shift_right_arithmetic3A_300 : vector<16xi32>
    %and3A_302 = arith.constant 16383 : i32
    %and3A_303 = vector.broadcast %and3A_302 : i32 to vector<16xi32>
    %and3A_304 = arith.andi %get3A_292, %and3A_303 : vector<16xi32>
    %lt3A_305 = arith.cmpi slt, %shift_right_arithmetic3A_301, %shift_right_arithmetic3A_295 : vector<16xi32>
    %add3A_306 = arith.constant 8192 : i32
    %add3A_307 = vector.broadcast %add3A_306 : i32 to vector<16xi32>
    %add3A_308 = arith.addi %and3A_298, %add3A_307 : vector<16xi32>
    %select_n3A_309 = arith.select %lt3A_305, %and3A_304, %add3A_308 : vector<16xi1>, vector<16xi32>
    %swap3A_310 = arith.constant 1 : i32
    %swap3A_311 = arith.index_cast %swap3A_310 : i32 to index
    %swap3A_312 = arith.constant 32 : index
    %swap3A_313 = tpu.vector_load %arg8[%swap3A_311, %swap3A_312] {strides = array<i32>} : memref<2x128xi32, #tpu.memory_space<vmem>>, vector<1x16xi32>,
    %swap3A_314 = vector.shape_cast %swap3A_313 : vector<1x16xi32> to vector<16xi32>
    %swap3A_315 = vector.shape_cast %select_n3A_309 : vector<16xi32> to vector<1x16xi32>
    tpu.vector_store %arg8[%swap3A_311, %swap3A_312], %swap3A_315 {strides = array<i32>} : memref<2x128xi32, #tpu.memory_space<vmem>>, vector<1x16xi32>,
    %get3A_316 = arith.constant 176 : index
    %get3A_317 = tpu.vector_load %arg6[%get3A_316] {strides = array<i32>} : memref<256xi32, #tpu.memory_space<vmem>>, vector<16xi32>,
    %get3A_318 = vector.shape_cast %get3A_317 : vector<16xi32> to vector<16xi32>
    %get3A_319 = arith.constant 176 : index
    %get3A_320 = tpu.vector_load %arg7[%get3A_319] {strides = array<i32>} : memref<256xi32, #tpu.memory_space<vmem>>, vector<16xi32>,
    %get3A_321 = vector.shape_cast %get3A_320 : vector<16xi32> to vector<16xi32>
    %shift_right_arithmetic3A_322 = arith.constant 14 : i32
    %shift_right_arithmetic3A_323 = vector.broadcast %shift_right_arithmetic3A_322 : i32 to vector<16xi32>
    %shift_right_arithmetic3A_324 = arith.shrsi %get3A_318, %shift_right_arithmetic3A_323 : vector<16xi32>
    %and3A_325 = arith.constant 16383 : i32
    %and3A_326 = vector.broadcast %and3A_325 : i32 to vector<16xi32>
    %and3A_327 = arith.andi %get3A_318, %and3A_326 : vector<16xi32>
    %shift_right_arithmetic3A_328 = arith.constant 14 : i32
    %shift_right_arithmetic3A_329 = vector.broadcast %shift_right_arithmetic3A_328 : i32 to vector<16xi32>
    %shift_right_arithmetic3A_330 = arith.shrsi %get3A_321, %shift_right_arithmetic3A_329 : vector<16xi32>
    %and3A_331 = arith.constant 16383 : i32
    %and3A_332 = vector.broadcast %and3A_331 : i32 to vector<16xi32>
    %and3A_333 = arith.andi %get3A_321, %and3A_332 : vector<16xi32>
    %lt3A_334 = arith.cmpi slt, %shift_right_arithmetic3A_330, %shift_right_arithmetic3A_324 : vector<16xi32>
    %add3A_335 = arith.constant 8192 : i32
    %add3A_336 = vector.broadcast %add3A_335 : i32 to vector<16xi32>
    %add3A_337 = arith.addi %and3A_327, %add3A_336 : vector<16xi32>
    %select_n3A_338 = arith.select %lt3A_334, %and3A_333, %add3A_337 : vector<16xi1>, vector<16xi32>
    %swap3A_339 = arith.constant 1 : i32
    %swap3A_340 = arith.index_cast %swap3A_339 : i32 to index
    %swap3A_341 = arith.constant 48 : index
    %swap3A_342 = tpu.vector_load %arg8[%swap3A_340, %swap3A_341] {strides = array<i32>} : memref<2x128xi32, #tpu.memory_space<vmem>>, vector<1x16xi32>,
    %swap3A_343 = vector.shape_cast %swap3A_342 : vector<1x16xi32> to vector<16xi32>
    %swap3A_344 = vector.shape_cast %select_n3A_338 : vector<16xi32> to vector<1x16xi32>
    tpu.vector_store %arg8[%swap3A_340, %swap3A_341], %swap3A_344 {strides = array<i32>} : memref<2x128xi32, #tpu.memory_space<vmem>>, vector<1x16xi32>,
    %get3A_345 = arith.constant 192 : index
    %get3A_346 = tpu.vector_load %arg6[%get3A_345] {strides = array<i32>} : memref<256xi32, #tpu.memory_space<vmem>>, vector<16xi32>,
    %get3A_347 = vector.shape_cast %get3A_346 : vector<16xi32> to vector<16xi32>
    %get3A_348 = arith.constant 192 : index
    %get3A_349 = tpu.vector_load %arg7[%get3A_348] {strides = array<i32>} : memref<256xi32, #tpu.memory_space<vmem>>, vector<16xi32>,
    %get3A_350 = vector.shape_cast %get3A_349 : vector<16xi32> to vector<16xi32>
    %shift_right_arithmetic3A_351 = arith.constant 14 : i32
    %shift_right_arithmetic3A_352 = vector.broadcast %shift_right_arithmetic3A_351 : i32 to vector<16xi32>
    %shift_right_arithmetic3A_353 = arith.shrsi %get3A_347, %shift_right_arithmetic3A_352 : vector<16xi32>
    %and3A_354 = arith.constant 16383 : i32
    %and3A_355 = vector.broadcast %and3A_354 : i32 to vector<16xi32>
    %and3A_356 = arith.andi %get3A_347, %and3A_355 : vector<16xi32>
    %shift_right_arithmetic3A_357 = arith.constant 14 : i32
    %shift_right_arithmetic3A_358 = vector.broadcast %shift_right_arithmetic3A_357 : i32 to vector<16xi32>
    %shift_right_arithmetic3A_359 = arith.shrsi %get3A_350, %shift_right_arithmetic3A_358 : vector<16xi32>
    %and3A_360 = arith.constant 16383 : i32
    %and3A_361 = vector.broadcast %and3A_360 : i32 to vector<16xi32>
    %and3A_362 = arith.andi %get3A_350, %and3A_361 : vector<16xi32>
    %lt3A_363 = arith.cmpi slt, %shift_right_arithmetic3A_359, %shift_right_arithmetic3A_353 : vector<16xi32>
    %add3A_364 = arith.constant 8192 : i32
    %add3A_365 = vector.broadcast %add3A_364 : i32 to vector<16xi32>
    %add3A_366 = arith.addi %and3A_356, %add3A_365 : vector<16xi32>
    %select_n3A_367 = arith.select %lt3A_363, %and3A_362, %add3A_366 : vector<16xi1>, vector<16xi32>
    %swap3A_368 = arith.constant 1 : i32
    %swap3A_369 = arith.index_cast %swap3A_368 : i32 to index
    %swap3A_370 = arith.constant 64 : index
    %swap3A_371 = tpu.vector_load %arg8[%swap3A_369, %swap3A_370] {strides = array<i32>} : memref<2x128xi32, #tpu.memory_space<vmem>>, vector<1x16xi32>,
    %swap3A_372 = vector.shape_cast %swap3A_371 : vector<1x16xi32> to vector<16xi32>
    %swap3A_373 = vector.shape_cast %select_n3A_367 : vector<16xi32> to vector<1x16xi32>
    tpu.vector_store %arg8[%swap3A_369, %swap3A_370], %swap3A_373 {strides = array<i32>} : memref<2x128xi32, #tpu.memory_space<vmem>>, vector<1x16xi32>,
    %get3A_374 = arith.constant 208 : index
    %get3A_375 = tpu.vector_load %arg6[%get3A_374] {strides = array<i32>} : memref<256xi32, #tpu.memory_space<vmem>>, vector<16xi32>,
    %get3A_376 = vector.shape_cast %get3A_375 : vector<16xi32> to vector<16xi32>
    %get3A_377 = arith.constant 208 : index
    %get3A_378 = tpu.vector_load %arg7[%get3A_377] {strides = array<i32>} : memref<256xi32, #tpu.memory_space<vmem>>, vector<16xi32>,
    %get3A_379 = vector.shape_cast %get3A_378 : vector<16xi32> to vector<16xi32>
    %shift_right_arithmetic3A_380 = arith.constant 14 : i32
    %shift_right_arithmetic3A_381 = vector.broadcast %shift_right_arithmetic3A_380 : i32 to vector<16xi32>
    %shift_right_arithmetic3A_382 = arith.shrsi %get3A_376, %shift_right_arithmetic3A_381 : vector<16xi32>
    %and3A_383 = arith.constant 16383 : i32
    %and3A_384 = vector.broadcast %and3A_383 : i32 to vector<16xi32>
    %and3A_385 = arith.andi %get3A_376, %and3A_384 : vector<16xi32>
    %shift_right_arithmetic3A_386 = arith.constant 14 : i32
    %shift_right_arithmetic3A_387 = vector.broadcast %shift_right_arithmetic3A_386 : i32 to vector<16xi32>
    %shift_right_arithmetic3A_388 = arith.shrsi %get3A_379, %shift_right_arithmetic3A_387 : vector<16xi32>
    %and3A_389 = arith.constant 16383 : i32
    %and3A_390 = vector.broadcast %and3A_389 : i32 to vector<16xi32>
    %and3A_391 = arith.andi %get3A_379, %and3A_390 : vector<16xi32>
    %lt3A_392 = arith.cmpi slt, %shift_right_arithmetic3A_388, %shift_right_arithmetic3A_382 : vector<16xi32>
    %add3A_393 = arith.constant 8192 : i32
    %add3A_394 = vector.broadcast %add3A_393 : i32 to vector<16xi32>
    %add3A_395 = arith.addi %and3A_385, %add3A_394 : vector<16xi32>
    %select_n3A_396 = arith.select %lt3A_392, %and3A_391, %add3A_395 : vector<16xi1>, vector<16xi32>
    %swap3A_397 = arith.constant 1 : i32
    %swap3A_398 = arith.index_cast %swap3A_397 : i32 to index
    %swap3A_399 = arith.constant 80 : index
    %swap3A_400 = tpu.vector_load %arg8[%swap3A_398, %swap3A_399] {strides = array<i32>} : memref<2x128xi32, #tpu.memory_space<vmem>>, vector<1x16xi32>,
    %swap3A_401 = vector.shape_cast %swap3A_400 : vector<1x16xi32> to vector<16xi32>
    %swap3A_402 = vector.shape_cast %select_n3A_396 : vector<16xi32> to vector<1x16xi32>
    tpu.vector_store %arg8[%swap3A_398, %swap3A_399], %swap3A_402 {strides = array<i32>} : memref<2x128xi32, #tpu.memory_space<vmem>>, vector<1x16xi32>,
    %get3A_403 = arith.constant 224 : index
    %get3A_404 = tpu.vector_load %arg6[%get3A_403] {strides = array<i32>} : memref<256xi32, #tpu.memory_space<vmem>>, vector<16xi32>,
    %get3A_405 = vector.shape_cast %get3A_404 : vector<16xi32> to vector<16xi32>
    %get3A_406 = arith.constant 224 : index
    %get3A_407 = tpu.vector_load %arg7[%get3A_406] {strides = array<i32>} : memref<256xi32, #tpu.memory_space<vmem>>, vector<16xi32>,
    %get3A_408 = vector.shape_cast %get3A_407 : vector<16xi32> to vector<16xi32>
    %shift_right_arithmetic3A_409 = arith.constant 14 : i32
    %shift_right_arithmetic3A_410 = vector.broadcast %shift_right_arithmetic3A_409 : i32 to vector<16xi32>
    %shift_right_arithmetic3A_411 = arith.shrsi %get3A_405, %shift_right_arithmetic3A_410 : vector<16xi32>
    %and3A_412 = arith.constant 16383 : i32
    %and3A_413 = vector.broadcast %and3A_412 : i32 to vector<16xi32>
    %and3A_414 = arith.andi %get3A_405, %and3A_413 : vector<16xi32>
    %shift_right_arithmetic3A_415 = arith.constant 14 : i32
    %shift_right_arithmetic3A_416 = vector.broadcast %shift_right_arithmetic3A_415 : i32 to vector<16xi32>
    %shift_right_arithmetic3A_417 = arith.shrsi %get3A_408, %shift_right_arithmetic3A_416 : vector<16xi32>
    %and3A_418 = arith.constant 16383 : i32
    %and3A_419 = vector.broadcast %and3A_418 : i32 to vector<16xi32>
    %and3A_420 = arith.andi %get3A_408, %and3A_419 : vector<16xi32>
    %lt3A_421 = arith.cmpi slt, %shift_right_arithmetic3A_417, %shift_right_arithmetic3A_411 : vector<16xi32>
    %add3A_422 = arith.constant 8192 : i32
    %add3A_423 = vector.broadcast %add3A_422 : i32 to vector<16xi32>
    %add3A_424 = arith.addi %and3A_414, %add3A_423 : vector<16xi32>
    %select_n3A_425 = arith.select %lt3A_421, %and3A_420, %add3A_424 : vector<16xi1>, vector<16xi32>
    %swap3A_426 = arith.constant 1 : i32
    %swap3A_427 = arith.index_cast %swap3A_426 : i32 to index
    %swap3A_428 = arith.constant 96 : index
    %swap3A_429 = tpu.vector_load %arg8[%swap3A_427, %swap3A_428] {strides = array<i32>} : memref<2x128xi32, #tpu.memory_space<vmem>>, vector<1x16xi32>,
    %swap3A_430 = vector.shape_cast %swap3A_429 : vector<1x16xi32> to vector<16xi32>
    %swap3A_431 = vector.shape_cast %select_n3A_425 : vector<16xi32> to vector<1x16xi32>
    tpu.vector_store %arg8[%swap3A_427, %swap3A_428], %swap3A_431 {strides = array<i32>} : memref<2x128xi32, #tpu.memory_space<vmem>>, vector<1x16xi32>,
    %get3A_432 = arith.constant 240 : index
    %get3A_433 = tpu.vector_load %arg6[%get3A_432] {strides = array<i32>} : memref<256xi32, #tpu.memory_space<vmem>>, vector<16xi32>,
    %get3A_434 = vector.shape_cast %get3A_433 : vector<16xi32> to vector<16xi32>
    %get3A_435 = arith.constant 240 : index
    %get3A_436 = tpu.vector_load %arg7[%get3A_435] {strides = array<i32>} : memref<256xi32, #tpu.memory_space<vmem>>, vector<16xi32>,
    %get3A_437 = vector.shape_cast %get3A_436 : vector<16xi32> to vector<16xi32>
    %shift_right_arithmetic3A_438 = arith.constant 14 : i32
    %shift_right_arithmetic3A_439 = vector.broadcast %shift_right_arithmetic3A_438 : i32 to vector<16xi32>
    %shift_right_arithmetic3A_440 = arith.shrsi %get3A_434, %shift_right_arithmetic3A_439 : vector<16xi32>
    %and3A_441 = arith.constant 16383 : i32
    %and3A_442 = vector.broadcast %and3A_441 : i32 to vector<16xi32>
    %and3A_443 = arith.andi %get3A_434, %and3A_442 : vector<16xi32>
    %shift_right_arithmetic3A_444 = arith.constant 14 : i32
    %shift_right_arithmetic3A_445 = vector.broadcast %shift_right_arithmetic3A_444 : i32 to vector<16xi32>
    %shift_right_arithmetic3A_446 = arith.shrsi %get3A_437, %shift_right_arithmetic3A_445 : vector<16xi32>
    %and3A_447 = arith.constant 16383 : i32
    %and3A_448 = vector.broadcast %and3A_447 : i32 to vector<16xi32>
    %and3A_449 = arith.andi %get3A_437, %and3A_448 : vector<16xi32>
    %lt3A_450 = arith.cmpi slt, %shift_right_arithmetic3A_446, %shift_right_arithmetic3A_440 : vector<16xi32>
    %add3A_451 = arith.constant 8192 : i32
    %add3A_452 = vector.broadcast %add3A_451 : i32 to vector<16xi32>
    %add3A_453 = arith.addi %and3A_443, %add3A_452 : vector<16xi32>
    %select_n3A_454 = arith.select %lt3A_450, %and3A_449, %add3A_453 : vector<16xi1>, vector<16xi32>
    %swap3A_455 = arith.constant 1 : i32
    %swap3A_456 = arith.index_cast %swap3A_455 : i32 to index
    %swap3A_457 = arith.constant 112 : index
    %swap3A_458 = tpu.vector_load %arg8[%swap3A_456, %swap3A_457] {strides = array<i32>} : memref<2x128xi32, #tpu.memory_space<vmem>>, vector<1x16xi32>,
    %swap3A_459 = vector.shape_cast %swap3A_458 : vector<1x16xi32> to vector<16xi32>
    %swap3A_460 = vector.shape_cast %select_n3A_454 : vector<16xi32> to vector<1x16xi32>
    tpu.vector_store %arg8[%swap3A_456, %swap3A_457], %swap3A_460 {strides = array<i32>} : memref<2x128xi32, #tpu.memory_space<vmem>>, vector<1x16xi32>,
    %dma_start3A = arith.constant 0 : i32
    %dma_start3A_461 = arith.constant 0 : i32
    %dma_start3A_462 = arith.constant 0 : i32
    %dma_start3A_463 = tpu.memref_slice %arg9[%dma_start3A_461, %dma_start3A_462] : memref<256x128xf32, #tpu.memory_space<vmem>> -> memref<128x128xf32, #tpu.memory_space<vmem>>
    %dma_start3A_464 = arith.constant 0 : i32
    %dma_start3A_465 = tpu.memref_slice %arg8[%dma_start3A, %dma_start3A_464] : memref<2x128xi32, #tpu.memory_space<vmem>> -> memref<1x128xi32, #tpu.memory_space<vmem>>
    %dma_start3A_466 = tpu.memref_squeeze %dma_start3A_465 : memref<1x128xi32, #tpu.memory_space<vmem>> -> memref<128xi32, #tpu.memory_space<vmem>>
    %dma_start3A_467 = arith.constant 0 : i32
    %dma_start3A_468 = arith.constant 0 : i32
    %dma_start3A_469 = tpu.memref_slice %arg2[%dma_start3A_467, %dma_start3A_468] : memref<16384x128xf32, #tpu.memory_space<hbm>> -> memref<16384x128xf32, #tpu.memory_space<hbm>>
    tpu.enqueue_indirect_dma source(%dma_start3A_469 : memref<16384x128xf32, #tpu.memory_space<hbm>>) target(%dma_start3A_463 : memref<128x128xf32, #tpu.memory_space<vmem>>) offsets(%dma_start3A_466 : memref<128xi32, #tpu.memory_space<vmem>>) semaphore(%arg10 : memref<!tpu.dma_semaphore, #tpu.memory_space<semaphore_mem>>)
    %dma_start3A_470 = arith.constant 1 : i32
    %dma_start3A_471 = arith.constant 128 : i32
    %dma_start3A_472 = arith.constant 0 : i32
    %dma_start3A_473 = tpu.memref_slice %arg9[%dma_start3A_471, %dma_start3A_472] : memref<256x128xf32, #tpu.memory_space<vmem>> -> memref<128x128xf32, #tpu.memory_space<vmem>>
    %dma_start3A_474 = arith.constant 0 : i32
    %dma_start3A_475 = tpu.memref_slice %arg8[%dma_start3A_470, %dma_start3A_474] : memref<2x128xi32, #tpu.memory_space<vmem>> -> memref<1x128xi32, #tpu.memory_space<vmem>>
    %dma_start3A_476 = tpu.memref_squeeze %dma_start3A_475 : memref<1x128xi32, #tpu.memory_space<vmem>> -> memref<128xi32, #tpu.memory_space<vmem>>
    %dma_start3A_477 = arith.constant 0 : i32
    %dma_start3A_478 = arith.constant 0 : i32
    %dma_start3A_479 = tpu.memref_slice %arg2[%dma_start3A_477, %dma_start3A_478] : memref<16384x128xf32, #tpu.memory_space<hbm>> -> memref<16384x128xf32, #tpu.memory_space<hbm>>
    tpu.enqueue_indirect_dma source(%dma_start3A_479 : memref<16384x128xf32, #tpu.memory_space<hbm>>) target(%dma_start3A_473 : memref<128x128xf32, #tpu.memory_space<vmem>>) offsets(%dma_start3A_476 : memref<128xi32, #tpu.memory_space<vmem>>) semaphore(%arg10 : memref<!tpu.dma_semaphore, #tpu.memory_space<semaphore_mem>>)
    %dma_wait3A = arith.constant 0 : i32
    %dma_wait3A_480 = arith.constant 0 : i32
    %dma_wait3A_481 = arith.constant 0 : i32
    %dma_wait3A_482 = tpu.memref_slice %arg9[%dma_wait3A_480, %dma_wait3A_481] : memref<256x128xf32, #tpu.memory_space<vmem>> -> memref<128x128xf32, #tpu.memory_space<vmem>>
    %dma_wait3A_483 = arith.constant 0 : i32
    %dma_wait3A_484 = tpu.memref_slice %arg8[%dma_wait3A, %dma_wait3A_483] : memref<2x128xi32, #tpu.memory_space<vmem>> -> memref<1x128xi32, #tpu.memory_space<vmem>>
    %dma_wait3A_485 = tpu.memref_squeeze %dma_wait3A_484 : memref<1x128xi32, #tpu.memory_space<vmem>> -> memref<128xi32, #tpu.memory_space<vmem>>
    %dma_wait3A_486 = arith.constant 0 : i32
    %dma_wait3A_487 = arith.constant 0 : i32
    %dma_wait3A_488 = tpu.memref_slice %arg2[%dma_wait3A_486, %dma_wait3A_487] : memref<16384x128xf32, #tpu.memory_space<hbm>> -> memref<16384x128xf32, #tpu.memory_space<hbm>>
    tpu.wait_indirect_dma semaphore(%arg10 : memref<!tpu.dma_semaphore, #tpu.memory_space<semaphore_mem>>) src(%dma_wait3A_488 : memref<16384x128xf32, #tpu.memory_space<hbm>>) dst(%dma_wait3A_482 : memref<128x128xf32, #tpu.memory_space<vmem>>)
    %dma_wait3A_489 = arith.constant 1 : i32
    %dma_wait3A_490 = arith.constant 128 : i32
    %dma_wait3A_491 = arith.constant 0 : i32
    %dma_wait3A_492 = tpu.memref_slice %arg9[%dma_wait3A_490, %dma_wait3A_491] : memref<256x128xf32, #tpu.memory_space<vmem>> -> memref<128x128xf32, #tpu.memory_space<vmem>>
    %dma_wait3A_493 = arith.constant 0 : i32
    %dma_wait3A_494 = tpu.memref_slice %arg8[%dma_wait3A_489, %dma_wait3A_493] : memref<2x128xi32, #tpu.memory_space<vmem>> -> memref<1x128xi32, #tpu.memory_space<vmem>>
    %dma_wait3A_495 = tpu.memref_squeeze %dma_wait3A_494 : memref<1x128xi32, #tpu.memory_space<vmem>> -> memref<128xi32, #tpu.memory_space<vmem>>
    %dma_wait3A_496 = arith.constant 0 : i32
    %dma_wait3A_497 = arith.constant 0 : i32
    %dma_wait3A_498 = tpu.memref_slice %arg2[%dma_wait3A_496, %dma_wait3A_497] : memref<16384x128xf32, #tpu.memory_space<hbm>> -> memref<16384x128xf32, #tpu.memory_space<hbm>>
    tpu.wait_indirect_dma semaphore(%arg10 : memref<!tpu.dma_semaphore, #tpu.memory_space<semaphore_mem>>) src(%dma_wait3A_498 : memref<16384x128xf32, #tpu.memory_space<hbm>>) dst(%dma_wait3A_492 : memref<128x128xf32, #tpu.memory_space<vmem>>)
    "tpu.region"() ({
      %run_scoped3A = tpu.sem_alloc : memref<!tpu.dma_semaphore, #tpu.memory_space<semaphore_mem>>
      %dma_start3A_499 = arith.constant 0 : i32
      %dma_start3A_500 = tpu.memref_slice %arg5[%mul3A_2, %dma_start3A_499] : memref<8192x128xf32, #tpu.memory_space<hbm>> -> memref<256x128xf32, #tpu.memory_space<hbm>>
      %dma_start3A_501 = arith.constant 0 : i32
      %dma_start3A_502 = tpu.memref_slice %arg5[%mul3A_2, %dma_start3A_501] : memref<8192x128xf32, #tpu.memory_space<hbm>> -> memref<256x128xf32, #tpu.memory_space<hbm>>
      tpu.enqueue_dma source(%arg9 : memref<256x128xf32, #tpu.memory_space<vmem>>) target(%dma_start3A_502 : memref<256x128xf32, #tpu.memory_space<hbm>>) target_semaphore(%run_scoped3A : memref<!tpu.dma_semaphore, #tpu.memory_space<semaphore_mem>>)
      %dma_wait3A_503 = arith.constant 0 : i32
      %dma_wait3A_504 = tpu.memref_slice %arg5[%mul3A_2, %dma_wait3A_503] : memref<8192x128xf32, #tpu.memory_space<hbm>> -> memref<256x128xf32, #tpu.memory_space<hbm>>
      %dma_wait3A_505 = arith.constant 0 : i32
      %dma_wait3A_506 = tpu.memref_slice %arg5[%mul3A_2, %dma_wait3A_505] : memref<8192x128xf32, #tpu.memory_space<hbm>> -> memref<256x128xf32, #tpu.memory_space<hbm>>
      tpu.wait_dma2 semaphore(%run_scoped3A : memref<!tpu.dma_semaphore, #tpu.memory_space<semaphore_mem>>) src(%arg9 : memref<256x128xf32, #tpu.memory_space<vmem>>) dst(%dma_wait3A_506 : memref<256x128xf32, #tpu.memory_space<hbm>>)
      tpu.yield
    }) : () -> ()
    return
  }
}

module attributes {stable_mosaic.version = 14 : i64} {
  func.func @_dmat_minkeys_kernel(%arg0: i32, %arg1: i32, %arg2: memref<512x128xf32, #tpu.memory_space<vmem>>, %arg3: memref<512x128xf32, #tpu.memory_space<vmem>>, %arg4: memref<16x512xi32, #tpu.memory_space<vmem>>, %arg5: memref<16x512xi32, #tpu.memory_space<vmem>>, %arg6: memref<16x512xf32, #tpu.memory_space<vmem>>, %arg7: memref<16x512xf32, #tpu.memory_space<vmem>>) attributes {dimension_semantics = [#tpu.dimension_semantics<arbitrary>, #tpu.dimension_semantics<arbitrary>], iteration_bounds = array<i64: 16, 16>, scalar_prefetch = 0 : i64, scratch_operands = 0 : i64, tpu.core_type = #tpu.core_type<tc>, window_params = [{transform_indices = @transform_0, window_bounds = array<i64: 512, 128>}, {transform_indices = @transform_1, window_bounds = array<i64: 512, 128>}, {pipeline_mode = #tpu.pipeline_mode<synchronous>, transform_indices = @transform_2, window_bounds = array<i64: 16, 512>}, {pipeline_mode = #tpu.pipeline_mode<synchronous>, transform_indices = @transform_3, window_bounds = array<i64: 16, 512>}, {pipeline_mode = #tpu.pipeline_mode<synchronous>, transform_indices = @transform_4, window_bounds = array<i64: 16, 512>}, {pipeline_mode = #tpu.pipeline_mode<synchronous>, transform_indices = @transform_5, window_bounds = array<i64: 16, 512>}]} {
    %get3A = arith.constant 0 : index
    %get3A_0 = arith.constant 0 : index
    %get3A_1 = vector.load %arg2[%get3A, %get3A_0] : memref<512x128xf32, #tpu.memory_space<vmem>>, vector<512x128xf32>
    %get3A_2 = arith.constant 0 : index
    %get3A_3 = arith.constant 0 : index
    %get3A_4 = vector.load %arg3[%get3A_2, %get3A_3] : memref<512x128xf32, #tpu.memory_space<vmem>>, vector<512x128xf32>
    %gt3A = arith.constant 0.000000e+00 : f32
    %gt3A_5 = vector.broadcast %gt3A : f32 to vector<512x128xf32>
    %gt3A_6 = arith.cmpf ogt, %get3A_1, %gt3A_5 : vector<512x128xf32>
    %jit3A = arith.constant 1.000000e+00 : f32
    %jit3A_7 = arith.constant -1.000000e+00 : f32
    %broadcast_in_dim3A = vector.broadcast %jit3A : f32 to vector<512x128xf32>
    %broadcast_in_dim3A_8 = vector.broadcast %jit3A_7 : f32 to vector<512x128xf32>
    %select_n3A = arith.select %gt3A_6, %broadcast_in_dim3A, %broadcast_in_dim3A_8 : vector<512x128xi1>, vector<512x128xf32>
    %convert_element_type3A = arith.truncf %select_n3A : vector<512x128xf32> to vector<512x128xbf16>
    %gt3A_9 = arith.constant 0.000000e+00 : f32
    %gt3A_10 = vector.broadcast %gt3A_9 : f32 to vector<512x128xf32>
    %gt3A_11 = arith.cmpf ogt, %get3A_4, %gt3A_10 : vector<512x128xf32>
    %jit3A_12 = arith.constant 1.000000e+00 : f32
    %jit3A_13 = arith.constant -1.000000e+00 : f32
    %broadcast_in_dim3A_14 = vector.broadcast %jit3A_12 : f32 to vector<512x128xf32>
    %broadcast_in_dim3A_15 = vector.broadcast %jit3A_13 : f32 to vector<512x128xf32>
    %select_n3A_16 = arith.select %gt3A_11, %broadcast_in_dim3A_14, %broadcast_in_dim3A_15 : vector<512x128xi1>, vector<512x128xf32>
    %convert_element_type3A_17 = arith.truncf %select_n3A_16 : vector<512x128xf32> to vector<512x128xbf16>
    %dot_general3A = arith.constant dense<0.000000e+00> : vector<512x512xf32>
    %dot_general3A_18 = tpu.matmul %convert_element_type3A, %convert_element_type3A_17, %dot_general3A {dimension_numbers = #tpu.dot_dimension_numbers<[1], [1], [0], [0], [0, 0, 1, 0], [], []>, transpose_lhs_hint = false} : vector<512x128xbf16>, vector<512x128xbf16>, vector<512x512xf32> -> vector<512x512xf32>
    %sub3A = arith.constant 1.280000e+02 : f32
    %sub3A_19 = vector.broadcast %sub3A : f32 to vector<512x512xf32>
    %sub3A_20 = arith.subf %sub3A_19, %dot_general3A_18 : vector<512x512xf32>
    %mul3A = arith.constant 5.000000e-01 : f32
    %mul3A_21 = vector.broadcast %mul3A : f32 to vector<512x512xf32>
    %mul3A_22 = arith.mulf %sub3A_20, %mul3A_21 : vector<512x512xf32>
    %convert_element_type3A_23 = arith.fptosi %mul3A_22 : vector<512x512xf32> to vector<512x512xi32>
    %iota3A = tpu.iota {dimensions = array<i32: 0>} : vector<512x512xi32>
    %iota3A_24 = tpu.iota {dimensions = array<i32: 1>} : vector<512x512xi32>
    %mul3A_25 = arith.constant 512 : i32
    %mul3A_26 = arith.muli %arg0, %mul3A_25 : i32
    %add3A = vector.broadcast %mul3A_26 : i32 to vector<512x512xi32>
    %add3A_27 = arith.addi %iota3A, %add3A : vector<512x512xi32>
    %mul3A_28 = arith.constant 512 : i32
    %mul3A_29 = arith.muli %arg1, %mul3A_28 : i32
    %add3A_30 = vector.broadcast %mul3A_29 : i32 to vector<512x512xi32>
    %add3A_31 = arith.addi %iota3A_24, %add3A_30 : vector<512x512xi32>
    %eq3A = arith.cmpi eq, %add3A_27, %add3A_31 : vector<512x512xi32>
    %jit3A_32 = arith.constant 99999 : i32
    %jit3A_33 = arith.constant 0 : i32
    %broadcast_in_dim3A_34 = vector.broadcast %jit3A_32 : i32 to vector<512x512xi32>
    %broadcast_in_dim3A_35 = vector.broadcast %jit3A_33 : i32 to vector<512x512xi32>
    %select_n3A_36 = arith.select %eq3A, %broadcast_in_dim3A_34, %broadcast_in_dim3A_35 : vector<512x512xi1>, vector<512x512xi32>
    %add3A_37 = arith.addi %convert_element_type3A_23, %select_n3A_36 : vector<512x512xi32>
    %lt3A = arith.constant 2 : i32
    %lt3A_38 = vector.broadcast %lt3A : i32 to vector<512x512xi32>
    %lt3A_39 = arith.cmpi slt, %add3A_37, %lt3A_38 : vector<512x512xi32>
    %jit3A_40 = arith.constant 99999 : i32
    %broadcast_in_dim3A_41 = vector.broadcast %jit3A_40 : i32 to vector<512x512xi32>
    %select_n3A_42 = arith.select %lt3A_39, %broadcast_in_dim3A_41, %add3A_37 : vector<512x512xi1>, vector<512x512xi32>
    %mul3A_43 = arith.constant 16384 : i32
    %mul3A_44 = vector.broadcast %mul3A_43 : i32 to vector<512x512xi32>
    %mul3A_45 = arith.muli %select_n3A_42, %mul3A_44 : vector<512x512xi32>
    %add3A_46 = arith.addi %mul3A_45, %add3A_31 : vector<512x512xi32>
    %mul3A_47 = arith.constant 16384 : i32
    %mul3A_48 = vector.broadcast %mul3A_47 : i32 to vector<512x512xi32>
    %mul3A_49 = arith.muli %select_n3A_42, %mul3A_48 : vector<512x512xi32>
    %add3A_50 = arith.addi %mul3A_49, %add3A_27 : vector<512x512xi32>
    %reduce_min3A = arith.constant dense<2147483647> : vector<512xi32>
    %reduce_min3A_51 = vector.multi_reduction <minsi>, %add3A_46, %reduce_min3A [1] : vector<512x512xi32> to vector<512xi32>
    %reshape3A = vector.shape_cast %reduce_min3A_51 : vector<512xi32> to vector<1x512xi32>
    %reduce_min3A_52 = arith.constant dense<2147483647> : vector<512xi32>
    %reduce_min3A_53 = vector.multi_reduction <minsi>, %add3A_50, %reduce_min3A_52 [0] : vector<512x512xi32> to vector<512xi32>
    %reshape3A_54 = vector.shape_cast %reduce_min3A_53 : vector<512xi32> to vector<1x512xi32>
    %eq3A_55 = arith.constant 0 : i32
    %eq3A_56 = arith.cmpi eq, %arg1, %eq3A_55 : i32
    %convert_element_type3A_57 = arith.extui %eq3A_56 : i1 to i32
    %cond3A = arith.constant 0 : i32
    %cond3A_58 = arith.cmpi ne, %convert_element_type3A_57, %cond3A : i32
    scf.if %cond3A_58 {
      %swap3A = arith.index_cast %arg0 : i32 to index
      %swap3A_78 = arith.constant 0 : index
      %swap3A_79 = vector.load %arg4[%swap3A, %swap3A_78] : memref<16x512xi32, #tpu.memory_space<vmem>>, vector<1x512xi32>
      tpu.vector_store %arg4[%swap3A, %swap3A_78], %reshape3A {strides = array<i32>} : memref<16x512xi32, #tpu.memory_space<vmem>>, vector<1x512xi32>,
    } else {
    }
    %gt3A_59 = arith.constant 0 : i32
    %gt3A_60 = arith.cmpi sgt, %arg1, %gt3A_59 : i32
    %convert_element_type3A_61 = arith.extui %gt3A_60 : i1 to i32
    %cond3A_62 = arith.constant 0 : i32
    %cond3A_63 = arith.cmpi ne, %convert_element_type3A_61, %cond3A_62 : i32
    scf.if %cond3A_63 {
      %get3A_78 = arith.index_cast %arg0 : i32 to index
      %get3A_79 = arith.constant 0 : index
      %get3A_80 = vector.load %arg4[%get3A_78, %get3A_79] : memref<16x512xi32, #tpu.memory_space<vmem>>, vector<1x512xi32>
      %min3A = arith.minsi %get3A_80, %reshape3A : vector<1x512xi32>
      %swap3A = arith.index_cast %arg0 : i32 to index
      %swap3A_81 = arith.constant 0 : index
      %swap3A_82 = vector.load %arg4[%swap3A, %swap3A_81] : memref<16x512xi32, #tpu.memory_space<vmem>>, vector<1x512xi32>
      tpu.vector_store %arg4[%swap3A, %swap3A_81], %min3A {strides = array<i32>} : memref<16x512xi32, #tpu.memory_space<vmem>>, vector<1x512xi32>,
    } else {
    }
    %eq3A_64 = arith.constant 0 : i32
    %eq3A_65 = arith.cmpi eq, %arg0, %eq3A_64 : i32
    %convert_element_type3A_66 = arith.extui %eq3A_65 : i1 to i32
    %cond3A_67 = arith.constant 0 : i32
    %cond3A_68 = arith.cmpi ne, %convert_element_type3A_66, %cond3A_67 : i32
    scf.if %cond3A_68 {
      %swap3A = arith.index_cast %arg1 : i32 to index
      %swap3A_78 = arith.constant 0 : index
      %swap3A_79 = vector.load %arg5[%swap3A, %swap3A_78] : memref<16x512xi32, #tpu.memory_space<vmem>>, vector<1x512xi32>
      tpu.vector_store %arg5[%swap3A, %swap3A_78], %reshape3A_54 {strides = array<i32>} : memref<16x512xi32, #tpu.memory_space<vmem>>, vector<1x512xi32>,
    } else {
    }
    %gt3A_69 = arith.constant 0 : i32
    %gt3A_70 = arith.cmpi sgt, %arg0, %gt3A_69 : i32
    %convert_element_type3A_71 = arith.extui %gt3A_70 : i1 to i32
    %cond3A_72 = arith.constant 0 : i32
    %cond3A_73 = arith.cmpi ne, %convert_element_type3A_71, %cond3A_72 : i32
    scf.if %cond3A_73 {
      %get3A_78 = arith.index_cast %arg1 : i32 to index
      %get3A_79 = arith.constant 0 : index
      %get3A_80 = vector.load %arg5[%get3A_78, %get3A_79] : memref<16x512xi32, #tpu.memory_space<vmem>>, vector<1x512xi32>
      %min3A = arith.minsi %get3A_80, %reshape3A_54 : vector<1x512xi32>
      %swap3A = arith.index_cast %arg1 : i32 to index
      %swap3A_81 = arith.constant 0 : index
      %swap3A_82 = vector.load %arg5[%swap3A, %swap3A_81] : memref<16x512xi32, #tpu.memory_space<vmem>>, vector<1x512xi32>
      tpu.vector_store %arg5[%swap3A, %swap3A_81], %min3A {strides = array<i32>} : memref<16x512xi32, #tpu.memory_space<vmem>>, vector<1x512xi32>,
    } else {
    }
    %eq3A_74 = arith.cmpi eq, %arg0, %arg1 : i32
    %convert_element_type3A_75 = arith.extui %eq3A_74 : i1 to i32
    %cond3A_76 = arith.constant 0 : i32
    %cond3A_77 = arith.cmpi ne, %convert_element_type3A_75, %cond3A_76 : i32
    scf.if %cond3A_77 {
      %mul3A_78 = arith.mulf %get3A_1, %get3A_4 : vector<512x128xf32>
      %reduce_sum3A = arith.constant dense<0.000000e+00> : vector<512xf32>
      %reduce_sum3A_79 = vector.multi_reduction <add>, %mul3A_78, %reduce_sum3A [1] : vector<512x128xf32> to vector<512xf32>
      %reshape3A_80 = vector.shape_cast %reduce_sum3A_79 : vector<512xf32> to vector<1x512xf32>
      %swap3A = arith.index_cast %arg0 : i32 to index
      %swap3A_81 = arith.constant 0 : index
      %swap3A_82 = vector.load %arg6[%swap3A, %swap3A_81] : memref<16x512xf32, #tpu.memory_space<vmem>>, vector<1x512xf32>
      tpu.vector_store %arg6[%swap3A, %swap3A_81], %reshape3A_80 {strides = array<i32>} : memref<16x512xf32, #tpu.memory_space<vmem>>, vector<1x512xf32>,
      %eq3A_83 = arith.cmpi eq, %iota3A, %iota3A_24 : vector<512x512xi32>
      %jit3A_84 = arith.constant 0.000000e+00 : f32
      %broadcast_in_dim3A_85 = vector.broadcast %jit3A_84 : f32 to vector<512x512xf32>
      %select_n3A_86 = arith.select %eq3A_83, %dot_general3A_18, %broadcast_in_dim3A_85 : vector<512x512xi1>, vector<512x512xf32>
      %reduce_sum3A_87 = arith.constant dense<0.000000e+00> : vector<512xf32>
      %reduce_sum3A_88 = vector.multi_reduction <add>, %select_n3A_86, %reduce_sum3A_87 [1] : vector<512x512xf32> to vector<512xf32>
      %reshape3A_89 = vector.shape_cast %reduce_sum3A_88 : vector<512xf32> to vector<1x512xf32>
      %swap3A_90 = arith.index_cast %arg0 : i32 to index
      %swap3A_91 = arith.constant 0 : index
      %swap3A_92 = vector.load %arg7[%swap3A_90, %swap3A_91] : memref<16x512xf32, #tpu.memory_space<vmem>>, vector<1x512xf32>
      tpu.vector_store %arg7[%swap3A_90, %swap3A_91], %reshape3A_89 {strides = array<i32>} : memref<16x512xf32, #tpu.memory_space<vmem>>, vector<1x512xf32>,
    } else {
    }
    return
  }
  func.func @transform_0(%arg0: i32, %arg1: i32) -> (i32, i32) {
    %c0_i32 = arith.constant 0 : i32
    %c0_i32_0 = arith.constant 0 : i32
    return %arg0, %c0_i32 : i32, i32
  }
  func.func @transform_1(%arg0: i32, %arg1: i32) -> (i32, i32) {
    %c0_i32 = arith.constant 0 : i32
    %c0_i32_0 = arith.constant 0 : i32
    return %arg1, %c0_i32 : i32, i32
  }
  func.func @transform_2(%arg0: i32, %arg1: i32) -> (i32, i32) {
    %c0_i32 = arith.constant 0 : i32
    %c0_i32_0 = arith.constant 0 : i32
    %c0_i32_1 = arith.constant 0 : i32
    return %c0_i32, %c0_i32_0 : i32, i32
  }
  func.func @transform_3(%arg0: i32, %arg1: i32) -> (i32, i32) {
    %c0_i32 = arith.constant 0 : i32
    %c0_i32_0 = arith.constant 0 : i32
    %c0_i32_1 = arith.constant 0 : i32
    return %c0_i32, %c0_i32_0 : i32, i32
  }
  func.func @transform_4(%arg0: i32, %arg1: i32) -> (i32, i32) {
    %c0_i32 = arith.constant 0 : i32
    %c0_i32_0 = arith.constant 0 : i32
    %c0_i32_1 = arith.constant 0 : i32
    return %c0_i32, %c0_i32_0 : i32, i32
  }
  func.func @transform_5(%arg0: i32, %arg1: i32) -> (i32, i32) {
    %c0_i32 = arith.constant 0 : i32
    %c0_i32_0 = arith.constant 0 : i32
    %c0_i32_1 = arith.constant 0 : i32
    return %c0_i32, %c0_i32_0 : i32, i32
  }
}

module attributes {stable_mosaic.version = 14 : i64} {
  func.func @_loss_kernel(%arg0: memref<16384x128xf32, #tpu.memory_space<vmem>>, %arg1: memref<8192x128xf32, #tpu.memory_space<vmem>>, %arg2: memref<8192x1xi32, #tpu.memory_space<vmem>>, %arg3: memref<8192x1xi32, #tpu.memory_space<vmem>>, %arg4: memref<8192x1xf32, #tpu.memory_space<vmem>>, %arg5: memref<8192x1xf32, #tpu.memory_space<vmem>>, %arg6: memref<1x1xf32, #tpu.memory_space<vmem>>, %arg7: memref<8192x1xf32, #tpu.memory_space<vmem>>, %arg8: memref<8192x1xi32, #tpu.memory_space<vmem>>) attributes {dimension_semantics = [], scalar_prefetch = 0 : i64, scratch_operands = 2 : i64, tpu.core_type = #tpu.core_type<tc>} {
    %iota3A = tpu.iota {dimensions = array<i32: 1>} : vector<1x512xi32>
    %broadcast_in_dim3A = arith.constant 0.000000e+00 : f32
    %broadcast_in_dim3A_0 = vector.broadcast %broadcast_in_dim3A : f32 to vector<1x512xf32>
    %scan3A = arith.constant 0 : i32
    %scan3A_1 = arith.constant 64 : i32
    %scan3A_2 = arith.addi %scan3A, %scan3A_1 : i32
    %scan3A_3 = arith.constant 1 : i32
    %scan3A_4 = scf.for %scan3A_23 = %scan3A to %scan3A_2 step %scan3A_3 iter_args(%scan3A_24 = %broadcast_in_dim3A_0) -> (vector<1x512xf32>)  : i32 {
      %mul3A_25 = arith.constant 128 : i32
      %mul3A_26 = arith.muli %scan3A_23, %mul3A_25 : i32
      %get3A = arith.index_cast %mul3A_26 : i32 to index
      %get3A_27 = arith.constant 0 : index
      %get3A_28 = vector.load %arg0[%get3A, %get3A_27] : memref<16384x128xf32, #tpu.memory_space<vmem>>, vector<128x128xf32>
      %mul3A_29 = arith.constant 128 : i32
      %mul3A_30 = arith.muli %scan3A_23, %mul3A_29 : i32
      %add3A = arith.constant 8192 : i32
      %add3A_31 = arith.addi %add3A, %mul3A_30 : i32
      %get3A_32 = arith.index_cast %add3A_31 : i32 to index
      %get3A_33 = arith.constant 0 : index
      %get3A_34 = vector.load %arg0[%get3A_32, %get3A_33] : memref<16384x128xf32, #tpu.memory_space<vmem>>, vector<128x128xf32>
      %get3A_35 = arith.index_cast %mul3A_26 : i32 to index
      %get3A_36 = arith.constant 0 : index
      %get3A_37 = vector.load %arg1[%get3A_35, %get3A_36] : memref<8192x128xf32, #tpu.memory_space<vmem>>, vector<128x128xf32>
      %get3A_38 = arith.index_cast %mul3A_26 : i32 to index
      %get3A_39 = arith.constant 0 : index
      %get3A_40 = vector.load %arg2[%get3A_38, %get3A_39] : memref<8192x1xi32, #tpu.memory_space<vmem>>, vector<128x1xi32>
      %shift_right_arithmetic3A = arith.constant 14 : i32
      %shift_right_arithmetic3A_41 = vector.broadcast %shift_right_arithmetic3A : i32 to vector<128x1xi32>
      %shift_right_arithmetic3A_42 = arith.shrsi %get3A_40, %shift_right_arithmetic3A_41 : vector<128x1xi32>
      %get3A_43 = arith.index_cast %mul3A_26 : i32 to index
      %get3A_44 = arith.constant 0 : index
      %get3A_45 = vector.load %arg3[%get3A_43, %get3A_44] : memref<8192x1xi32, #tpu.memory_space<vmem>>, vector<128x1xi32>
      %shift_right_arithmetic3A_46 = arith.constant 14 : i32
      %shift_right_arithmetic3A_47 = vector.broadcast %shift_right_arithmetic3A_46 : i32 to vector<128x1xi32>
      %shift_right_arithmetic3A_48 = arith.shrsi %get3A_45, %shift_right_arithmetic3A_47 : vector<128x1xi32>
      %lt3A = arith.cmpi slt, %shift_right_arithmetic3A_48, %shift_right_arithmetic3A_42 : vector<128x1xi32>
      %broadcast_in_dim3A_49 = vector.shape_cast %lt3A : vector<128x1xi1> to vector<128x1xi1>
      %broadcast_in_dim3A_50 = vector.broadcast %broadcast_in_dim3A_49 : vector<128x1xi1> to vector<128x128xi1>
      %select_n3A = arith.select %broadcast_in_dim3A_50, %get3A_34, %get3A_28 : vector<128x128xi1>, vector<128x128xf32>
      %mul3A_51 = arith.mulf %select_n3A, %get3A_37 : vector<128x128xf32>
      %reduce_sum3A_52 = arith.constant dense<0.000000e+00> : vector<128xf32>
      %reduce_sum3A_53 = vector.multi_reduction <add>, %mul3A_51, %reduce_sum3A_52 [1] : vector<128x128xf32> to vector<128xf32>
      %broadcast_in_dim3A_54 = vector.shape_cast %reduce_sum3A_53 : vector<128xf32> to vector<128x1xf32>
      %gt3A = arith.constant 0.000000e+00 : f32
      %gt3A_55 = vector.broadcast %gt3A : f32 to vector<128x128xf32>
      %gt3A_56 = arith.cmpf ogt, %select_n3A, %gt3A_55 : vector<128x128xf32>
      %gt3A_57 = arith.constant 0.000000e+00 : f32
      %gt3A_58 = vector.broadcast %gt3A_57 : f32 to vector<128x128xf32>
      %gt3A_59 = arith.cmpf ogt, %get3A_37, %gt3A_58 : vector<128x128xf32>
      %eq3A = arith.xori %gt3A_56, %gt3A_59 : vector<128x128xi1>
      %eq3A_60 = arith.constant dense<true> : vector<128x128xi1>
      %eq3A_61 = arith.xori %eq3A, %eq3A_60 : vector<128x128xi1>
      %jit3A = arith.constant 1.000000e+00 : f32
      %jit3A_62 = arith.constant 0.000000e+00 : f32
      %broadcast_in_dim3A_63 = vector.broadcast %jit3A : f32 to vector<128x128xf32>
      %broadcast_in_dim3A_64 = vector.broadcast %jit3A_62 : f32 to vector<128x128xf32>
      %select_n3A_65 = arith.select %eq3A_61, %broadcast_in_dim3A_63, %broadcast_in_dim3A_64 : vector<128x128xi1>, vector<128x128xf32>
      %reduce_sum3A_66 = arith.constant dense<0.000000e+00> : vector<128xf32>
      %reduce_sum3A_67 = vector.multi_reduction <add>, %select_n3A_65, %reduce_sum3A_66 [1] : vector<128x128xf32> to vector<128xf32>
      %broadcast_in_dim3A_68 = vector.shape_cast %reduce_sum3A_67 : vector<128xf32> to vector<128x1xf32>
      %mul3A_69 = arith.constant 2.000000e+00 : f32
      %mul3A_70 = vector.broadcast %mul3A_69 : f32 to vector<128x1xf32>
      %mul3A_71 = arith.mulf %mul3A_70, %broadcast_in_dim3A_68 : vector<128x1xf32>
      %sub3A_72 = arith.constant 1.280000e+02 : f32
      %sub3A_73 = vector.broadcast %sub3A_72 : f32 to vector<128x1xf32>
      %sub3A_74 = arith.subf %mul3A_71, %sub3A_73 : vector<128x1xf32>
      %sub3A_75 = arith.constant 1.280000e+02 : f32
      %sub3A_76 = vector.broadcast %sub3A_75 : f32 to vector<128x1xf32>
      %sub3A_77 = arith.subf %sub3A_76, %broadcast_in_dim3A_54 : vector<128x1xf32>
      %mul3A_78 = arith.constant 7.812500e-03 : f32
      %mul3A_79 = vector.broadcast %mul3A_78 : f32 to vector<128x1xf32>
      %mul3A_80 = arith.mulf %sub3A_77, %mul3A_79 : vector<128x1xf32>
      %sub3A_81 = arith.constant 1.280000e+02 : f32
      %sub3A_82 = vector.broadcast %sub3A_81 : f32 to vector<128x1xf32>
      %sub3A_83 = arith.subf %sub3A_82, %sub3A_74 : vector<128x1xf32>
      %mul3A_84 = arith.constant 7.812500e-03 : f32
      %mul3A_85 = vector.broadcast %mul3A_84 : f32 to vector<128x1xf32>
      %mul3A_86 = arith.mulf %sub3A_83, %mul3A_85 : vector<128x1xf32>
      %get3A_87 = arith.index_cast %mul3A_26 : i32 to index
      %get3A_88 = arith.constant 0 : index
      %get3A_89 = vector.load %arg5[%get3A_87, %get3A_88] : memref<8192x1xf32, #tpu.memory_space<vmem>>, vector<128x1xf32>
      %sub3A_90 = arith.constant 1.280000e+02 : f32
      %sub3A_91 = vector.broadcast %sub3A_90 : f32 to vector<128x1xf32>
      %sub3A_92 = arith.subf %sub3A_91, %get3A_89 : vector<128x1xf32>
      %mul3A_93 = arith.constant 7.812500e-03 : f32
      %mul3A_94 = vector.broadcast %mul3A_93 : f32 to vector<128x1xf32>
      %mul3A_95 = arith.mulf %sub3A_92, %mul3A_94 : vector<128x1xf32>
      %sub3A_96 = arith.subf %mul3A_95, %mul3A_86 : vector<128x1xf32>
      %sub3A_97 = arith.constant -2.000000e+00 : f32
      %sub3A_98 = vector.broadcast %sub3A_97 : f32 to vector<128x1xf32>
      %sub3A_99 = arith.subf %sub3A_96, %sub3A_98 : vector<128x1xf32>
      %div3A_100 = arith.constant 0.00782778859 : f32
      %div3A_101 = vector.broadcast %div3A_100 : f32 to vector<128x1xf32>
      %div3A_102 = arith.divf %sub3A_99, %div3A_101 : vector<128x1xf32>
      %floor3A = math.floor %div3A_102 : vector<128x1xf32>
      %convert_element_type3A = arith.fptosi %floor3A : vector<128x1xf32> to vector<128x1xi32>
      %sub3A_103 = arith.constant -2.000000e+00 : f32
      %sub3A_104 = vector.broadcast %sub3A_103 : f32 to vector<128x1xf32>
      %sub3A_105 = arith.subf %sub3A_96, %sub3A_104 : vector<128x1xf32>
      %convert_element_type3A_106 = arith.sitofp %convert_element_type3A : vector<128x1xi32> to vector<128x1xf32>
      %mul3A_107 = arith.constant 0.00782778859 : f32
      %mul3A_108 = vector.broadcast %mul3A_107 : f32 to vector<128x1xf32>
      %mul3A_109 = arith.mulf %convert_element_type3A_106, %mul3A_108 : vector<128x1xf32>
      %sub3A_110 = arith.subf %sub3A_105, %mul3A_109 : vector<128x1xf32>
      %div3A_111 = arith.constant 0.00782778859 : f32
      %div3A_112 = vector.broadcast %div3A_111 : f32 to vector<128x1xf32>
      %div3A_113 = arith.divf %sub3A_110, %div3A_112 : vector<128x1xf32>
      %sub3A_114 = arith.constant 1.000000e+00 : f32
      %sub3A_115 = vector.broadcast %sub3A_114 : f32 to vector<128x1xf32>
      %sub3A_116 = arith.subf %sub3A_115, %div3A_113 : vector<128x1xf32>
      %add3A_117 = arith.constant 1 : i32
      %add3A_118 = vector.broadcast %add3A_117 : i32 to vector<128x1xi32>
      %add3A_119 = arith.addi %convert_element_type3A, %add3A_118 : vector<128x1xi32>
      %jit3A_120 = arith.constant 0 : i32
      %jit3A_121 = arith.constant 511 : i32
      %max3A = vector.broadcast %jit3A_120 : i32 to vector<128x1xi32>
      %max3A_122 = arith.maxsi %max3A, %add3A_119 : vector<128x1xi32>
      %min3A = vector.broadcast %jit3A_121 : i32 to vector<128x1xi32>
      %min3A_123 = arith.minsi %min3A, %max3A_122 : vector<128x1xi32>
      %swap3A_124 = arith.index_cast %mul3A_26 : i32 to index
      %swap3A_125 = arith.constant 0 : index
      %swap3A_126 = vector.load %arg7[%swap3A_124, %swap3A_125] : memref<8192x1xf32, #tpu.memory_space<vmem>>, vector<128x1xf32>
      tpu.vector_store %arg7[%swap3A_124, %swap3A_125], %mul3A_80 {strides = array<i32>} : memref<8192x1xf32, #tpu.memory_space<vmem>>, vector<128x1xf32>,
      %swap3A_127 = arith.index_cast %mul3A_26 : i32 to index
      %swap3A_128 = arith.constant 0 : index
      %swap3A_129 = vector.load %arg8[%swap3A_127, %swap3A_128] : memref<8192x1xi32, #tpu.memory_space<vmem>>, vector<128x1xi32>
      tpu.vector_store %arg8[%swap3A_127, %swap3A_128], %convert_element_type3A {strides = array<i32>} : memref<8192x1xi32, #tpu.memory_space<vmem>>, vector<128x1xi32>,
      %eq3A_130 = vector.broadcast %iota3A : vector<1x512xi32> to vector<128x512xi32>
      %eq3A_131 = vector.broadcast %convert_element_type3A : vector<128x1xi32> to vector<128x512xi32>
      %eq3A_132 = arith.cmpi eq, %eq3A_130, %eq3A_131 : vector<128x512xi32>
      %jit3A_133 = arith.constant 0.000000e+00 : f32
      %broadcast_in_dim3A_134 = vector.shape_cast %sub3A_116 : vector<128x1xf32> to vector<128x1xf32>
      %broadcast_in_dim3A_135 = vector.broadcast %broadcast_in_dim3A_134 : vector<128x1xf32> to vector<128x512xf32>
      %broadcast_in_dim3A_136 = vector.broadcast %jit3A_133 : f32 to vector<128x512xf32>
      %select_n3A_137 = arith.select %eq3A_132, %broadcast_in_dim3A_135, %broadcast_in_dim3A_136 : vector<128x512xi1>, vector<128x512xf32>
      %eq3A_138 = vector.broadcast %iota3A : vector<1x512xi32> to vector<128x512xi32>
      %eq3A_139 = vector.broadcast %min3A_123 : vector<128x1xi32> to vector<128x512xi32>
      %eq3A_140 = arith.cmpi eq, %eq3A_138, %eq3A_139 : vector<128x512xi32>
      %sub3A_141 = arith.constant 1.000000e+00 : f32
      %sub3A_142 = vector.broadcast %sub3A_141 : f32 to vector<128x1xf32>
      %sub3A_143 = arith.subf %sub3A_142, %sub3A_116 : vector<128x1xf32>
      %jit3A_144 = arith.constant 0.000000e+00 : f32
      %broadcast_in_dim3A_145 = vector.shape_cast %sub3A_143 : vector<128x1xf32> to vector<128x1xf32>
      %broadcast_in_dim3A_146 = vector.broadcast %broadcast_in_dim3A_145 : vector<128x1xf32> to vector<128x512xf32>
      %broadcast_in_dim3A_147 = vector.broadcast %jit3A_144 : f32 to vector<128x512xf32>
      %select_n3A_148 = arith.select %eq3A_140, %broadcast_in_dim3A_146, %broadcast_in_dim3A_147 : vector<128x512xi1>, vector<128x512xf32>
      %add3A_149 = arith.addf %select_n3A_137, %select_n3A_148 : vector<128x512xf32>
      %reduce_sum3A_150 = arith.constant dense<0.000000e+00> : vector<512xf32>
      %reduce_sum3A_151 = vector.multi_reduction <add>, %add3A_149, %reduce_sum3A_150 [0] : vector<128x512xf32> to vector<512xf32>
      %broadcast_in_dim3A_152 = vector.shape_cast %reduce_sum3A_151 : vector<512xf32> to vector<1x512xf32>
      %add3A_153 = arith.addf %scan3A_24, %broadcast_in_dim3A_152 : vector<1x512xf32>
      scf.yield %add3A_153 : vector<1x512xf32>
    }
    %scan3A_5 = arith.constant 64 : i32
    %reduce_sum3A = vector.shape_cast %scan3A_4 : vector<1x512xf32> to vector<1x1x512xf32>
    %reduce_sum3A_6 = arith.constant dense<0.000000e+00> : vector<1xf32>
    %reduce_sum3A_7 = vector.multi_reduction <add>, %reduce_sum3A, %reduce_sum3A_6 [1, 2] : vector<1x1x512xf32> to vector<1xf32>
    %reduce_sum3A_8 = vector.shape_cast %reduce_sum3A_7 : vector<1xf32> to vector<1x1x1xf32>
    %reduce_sum3A_9 = vector.extract %reduce_sum3A_8[0, 0, 0] : f32 from vector<1x1x1xf32>
    %div3A = vector.broadcast %reduce_sum3A_9 : f32 to vector<1x512xf32>
    %div3A_10 = arith.divf %scan3A_4, %div3A : vector<1x512xf32>
    %broadcast_in_dim3A_11 = arith.constant 0.000000e+00 : f32
    %broadcast_in_dim3A_12 = vector.broadcast %broadcast_in_dim3A_11 : f32 to vector<1x1xf32>
    %scan3A_13 = arith.constant 0 : i32
    %scan3A_14 = arith.constant 64 : i32
    %scan3A_15 = arith.addi %scan3A_13, %scan3A_14 : i32
    %scan3A_16 = arith.constant 1 : i32
    %scan3A_17:2 = scf.for %scan3A_23 = %scan3A_13 to %scan3A_15 step %scan3A_16 iter_args(%scan3A_24 = %broadcast_in_dim3A_12, %scan3A_25 = %broadcast_in_dim3A_12) -> (vector<1x1xf32>, vector<1x1xf32>)  : i32 {
      %mul3A_26 = arith.constant 128 : i32
      %mul3A_27 = arith.muli %scan3A_23, %mul3A_26 : i32
      %get3A = arith.index_cast %mul3A_27 : i32 to index
      %get3A_28 = arith.constant 0 : index
      %get3A_29 = vector.load %arg8[%get3A, %get3A_28] : memref<8192x1xi32, #tpu.memory_space<vmem>>, vector<128x1xi32>
      %le3A = vector.broadcast %iota3A : vector<1x512xi32> to vector<128x512xi32>
      %le3A_30 = vector.broadcast %get3A_29 : vector<128x1xi32> to vector<128x512xi32>
      %le3A_31 = arith.cmpi sle, %le3A, %le3A_30 : vector<128x512xi32>
      %jit3A = arith.constant 0.000000e+00 : f32
      %broadcast_in_dim3A_32 = vector.shape_cast %div3A_10 : vector<1x512xf32> to vector<1x512xf32>
      %broadcast_in_dim3A_33 = vector.broadcast %broadcast_in_dim3A_32 : vector<1x512xf32> to vector<128x512xf32>
      %broadcast_in_dim3A_34 = vector.broadcast %jit3A : f32 to vector<128x512xf32>
      %select_n3A = arith.select %le3A_31, %broadcast_in_dim3A_33, %broadcast_in_dim3A_34 : vector<128x512xi1>, vector<128x512xf32>
      %reduce_sum3A_35 = arith.constant dense<0.000000e+00> : vector<128xf32>
      %reduce_sum3A_36 = vector.multi_reduction <add>, %select_n3A, %reduce_sum3A_35 [1] : vector<128x512xf32> to vector<128xf32>
      %broadcast_in_dim3A_37 = vector.shape_cast %reduce_sum3A_36 : vector<128xf32> to vector<128x1xf32>
      %get3A_38 = arith.index_cast %mul3A_27 : i32 to index
      %get3A_39 = arith.constant 0 : index
      %get3A_40 = vector.load %arg4[%get3A_38, %get3A_39] : memref<8192x1xf32, #tpu.memory_space<vmem>>, vector<128x1xf32>
      %sub3A_41 = arith.constant 1.280000e+02 : f32
      %sub3A_42 = vector.broadcast %sub3A_41 : f32 to vector<128x1xf32>
      %sub3A_43 = arith.subf %sub3A_42, %get3A_40 : vector<128x1xf32>
      %mul3A_44 = arith.constant 7.812500e-03 : f32
      %mul3A_45 = vector.broadcast %mul3A_44 : f32 to vector<128x1xf32>
      %mul3A_46 = arith.mulf %sub3A_43, %mul3A_45 : vector<128x1xf32>
      %mul3A_47 = arith.mulf %mul3A_46, %broadcast_in_dim3A_37 : vector<128x1xf32>
      %reduce_sum3A_48 = vector.shape_cast %mul3A_47 : vector<128x1xf32> to vector<1x128x1xf32>
      %reduce_sum3A_49 = arith.constant dense<0.000000e+00> : vector<1xf32>
      %reduce_sum3A_50 = vector.multi_reduction <add>, %reduce_sum3A_48, %reduce_sum3A_49 [1, 2] : vector<1x128x1xf32> to vector<1xf32>
      %reduce_sum3A_51 = vector.shape_cast %reduce_sum3A_50 : vector<1xf32> to vector<1x1x1xf32>
      %reduce_sum3A_52 = vector.extract %reduce_sum3A_51[0, 0, 0] : f32 from vector<1x1x1xf32>
      %broadcast_in_dim3A_53 = vector.broadcast %reduce_sum3A_52 : f32 to vector<1x1xf32>
      %add3A = arith.addf %scan3A_24, %broadcast_in_dim3A_53 : vector<1x1xf32>
      %get3A_54 = arith.index_cast %mul3A_27 : i32 to index
      %get3A_55 = arith.constant 0 : index
      %get3A_56 = vector.load %arg7[%get3A_54, %get3A_55] : memref<8192x1xf32, #tpu.memory_space<vmem>>, vector<128x1xf32>
      %mul3A_57 = arith.mulf %get3A_56, %broadcast_in_dim3A_37 : vector<128x1xf32>
      %reduce_sum3A_58 = vector.shape_cast %mul3A_57 : vector<128x1xf32> to vector<1x128x1xf32>
      %reduce_sum3A_59 = arith.constant dense<0.000000e+00> : vector<1xf32>
      %reduce_sum3A_60 = vector.multi_reduction <add>, %reduce_sum3A_58, %reduce_sum3A_59 [1, 2] : vector<1x128x1xf32> to vector<1xf32>
      %reduce_sum3A_61 = vector.shape_cast %reduce_sum3A_60 : vector<1xf32> to vector<1x1x1xf32>
      %reduce_sum3A_62 = vector.extract %reduce_sum3A_61[0, 0, 0] : f32 from vector<1x1x1xf32>
      %broadcast_in_dim3A_63 = vector.broadcast %reduce_sum3A_62 : f32 to vector<1x1xf32>
      %add3A_64 = arith.addf %scan3A_25, %broadcast_in_dim3A_63 : vector<1x1xf32>
      scf.yield %add3A, %add3A_64 : vector<1x1xf32>, vector<1x1xf32>
    }
    %scan3A_18 = arith.constant 64 : i32
    %sub3A = arith.subf %scan3A_17#0, %scan3A_17#1 : vector<1x1xf32>
    %mul3A = arith.constant 1.22070313E-4 : f32
    %mul3A_19 = vector.broadcast %mul3A : f32 to vector<1x1xf32>
    %mul3A_20 = arith.mulf %sub3A, %mul3A_19 : vector<1x1xf32>
    %swap3A = arith.constant 0 : index
    %swap3A_21 = arith.constant 0 : index
    %swap3A_22 = vector.load %arg6[%swap3A, %swap3A_21] : memref<1x1xf32, #tpu.memory_space<vmem>>, vector<1x1xf32>
    tpu.vector_store %arg6[%swap3A, %swap3A_21], %mul3A_20 {strides = array<i32>} : memref<1x1xf32, #tpu.memory_space<vmem>>, vector<1x1xf32>,
    return
  }
}

</mosaic_0001>

<sc_bundles>
// kernel: kernel.5.cloned.1.call-start
scs
__scs_entry_jumppad:
0x0: {  	(pc) =	sbr.rel $0x88, $3  }
0x1: {  	(tag) =	ssettag $0x0;
	lr =	simm.s32 $0x1  }
0x2: {  	[smem:$0x3FA0] =	sst lr;
	_ =	strace $0xD0000000  }
0x3: {  	_ = 	snop  }
0x4: {  	_ = 	snop  }
0x5: {  	_ = 	snop  }
0x6: {  	_ = 	snop  }
0x7: {  	_ = 	snop  }
__scs_overlays_trampoline_lowered:
0x8: {  	[smem:$0x3FAF] =	sst s0  }
0x9: {  	[smem:$0x3FB0] =	sst s1  }
0xa: {  	[smem:$0x3FB1] =	sst s2  }
0xb: {  	[smem:$0x3FB2] =	sst s3  }
0xc: {  	[smem:$0x3FB3] =	sst s4  }
0xd: {  	[smem:$0x3FB4] =	sst s5  }
0xe: {  	[smem:$0x3FB5] =	sst s6  }
0xf: {  	[smem:$0x3FB6] =	sst s7  }
0x10: {  	[smem:$0x3FB7] =	sst s8  }
0x11: {  	[smem:$0x3FB8] =	sst s9;
	s0 =	simm.s32 @!p0 $0x0  }
0x12: {  	s1 =	sld [smem:$0x3F9E];
	s0 =	simm.s32 @p0 $0x1  }
0x13: {  	[smem:$0x3FB9] =	sst s0;
	s0 =	simm.s32 @!p1 $0x0  }
0x14: {  	s2 =	sld [smem:$0x3F9D];
	s0 =	simm.s32 @p1 $0x1  }
0x15: {  	[smem:$0x3FBA] =	sst s0;
	s0 =	simm.s32 @!p2 $0x0  }
0x16: {  	s3 =	sld [smem:$0x3FDB];
	s0 =	simm.s32 @p2 $0x1  }
0x17: {  	s4 =	simm.s32 $0x1BF5;
	[smem:$0x3FBC] =	sst s0  }
0x18: {  	s0 =	sld [smem:$0x3F9F];
	_ =	swait.ge [sflag:s4], $0x0  }
0x19: {  	s7 =	sld [smem:$0x3FA0]  }
0x1a: {  	s8 =	sadd.s32 $0xFFFFE003, lr  }
0x1b: {  	s9 =	sadd.s32 $0xFFFFFEF7, lr;
	s5 =	simm.s32 $0xFFFFFFFF;
	p2 =	slt.u32 s8, $0xFFFFF086  }
0x1c: {  	p1 =	slt.u32 s9, $0xF7A;
	s5 =	simm.s32 @!p2 $0x0  }
0x1d: {  	s5 =	simm.s32 @p1 $0x1;
	p0 =	seq.s32 s7, s2  }
0x1e: {  	s7 =	smul.u32 @!p0 $0xF7A, s2;
	p2 =	seq.s32 @!p0 s5, $0x0  }
0x1f: {  	s9 =	smul.u32 $0xF7A, s1;
	s8 =	simm.s32 @!p0 $0x1BF5;
	p2 =	por !p2, p0  }
0x20: {  	[sflag:s8] =	ssyncset.s32 @!p0 $0xFFFFF086;
	s6 =	sadd.s32 @!p0 s3, s7;
	s7 =	simm.s32 @!p0 $0x108  }
0x21: {  	s3 =	sadd.s32 s3, s9;
	s6 =	sadd.s32 @!p0 $0x88, s6;
	s7 =	simm.s32 @p2 $0x1082  }
0x22: {  	[simem:s7], [sflag:s8] =	dma.local @!p0 [hbm:s6], $0xF7A  }
0x23: {  	s9 =	sor.u32 $0xD0000000, s2;
	s6 =	simm.s32 $0x108;
	_ =	swait.ge @!p0 [sflag:s8], $0x0  }
0x24: {  	s3 =	sadd.s32 $0x88, s3;
	s6 =	simm.s32 @!p1 $0x1082;
	[sflag:s4] =	ssyncset.s32 $0xFFFFF086  }
0x25: {  	[simem:s6], [sflag:s4] =	dma.local [hbm:s3], $0xF7A  }
0x26: {  	[smem:$0x3FA0] =	sst s1;
	(tag) =	ssettag s2;
	_ =	strace s9  }
0x27: {  	s1 =	sld [smem:$0x3FB0]  }
0x28: {  	s2 =	sld [smem:$0x3FB1]  }
0x29: {  	s4 =	sld [smem:$0x3FB3]  }
0x2a: {  	p0 =	seq.s32 s5, $0x0;
	s5 =	sld [smem:$0x3FB4]  }
0x2b: {  	s6 =	sld [smem:$0x3FB5]  }
0x2c: {  	s7 =	sld [smem:$0x3FB6]  }
0x2d: {  	s3 =	simm.s32 $0x108;
	s8 =	sld [smem:$0x3FB7]  }
0x2e: {  	s3 =	simm.s32 @!p0 $0x1082;
	s9 =	sld [smem:$0x3FB8]  }
0x2f: {  	lr =	sadd.s32 s0, s3;
	s0 =	sld [smem:$0x3FAF]  }
0x30: {  	s3 =	sld [smem:$0x3FB2]  }
0x31: {  	[smem:$0x3FBB] =	sst s10  }
0x32: {  	s10 =	sld [smem:$0x3FB9];
	_ =	sdelay $0x3  }
0x33: {  	p0 =	seq.s32 s10, $0x1;
	s10 =	sld [smem:$0x3FBB];
	_ =	sdelay $0x3  }
0x34: {  	[smem:$0x3FBB] =	sst s10  }
0x35: {  	s10 =	sld [smem:$0x3FBA];
	_ =	sdelay $0x3  }
0x36: {  	p1 =	seq.s32 s10, $0x1;
	s10 =	sld [smem:$0x3FBB];
	_ =	sdelay $0x3  }
0x37: {  	[smem:$0x3FBB] =	sst s10  }
0x38: {  	s10 =	sld [smem:$0x3FBC]  }
0x39: {  	_ = 	snop;
	(pc) =	sbr.ind lr, $3  }
0x3a: {  	_ = 	snop  }
0x3b: {  	_ = 	snop  }
0x3c: {  	p2 =	seq.s32 s10, $0x1;
	s10 =	sld [smem:$0x3FBB]  }
0x3d: {  	_ =	shalt  }
0x3e: {  	_ =	shalt  }
0x3f: {  	_ =	shalt  }
0x40: {  	_ =	shalt  }
0x41: {  	_ =	shalt  }
0x42: {  	_ =	shalt  }
0x43: {  	_ =	shalt  }
0x44: {  	_ =	shalt  }
0x45: {  	_ =	shalt  }
0x46: {  	_ =	shalt  }
0x47: {  	_ =	shalt  }
0x48: {  	_ =	shalt  }
0x49: {  	_ =	shalt  }
0x4a: {  	_ =	shalt  }
0x4b: {  	_ =	shalt  }
0x4c: {  	_ =	shalt  }
0x4d: {  	_ =	shalt  }
0x4e: {  	_ =	shalt  }
0x4f: {  	_ =	shalt  }
0x50: {  	_ =	shalt  }
0x51: {  	_ =	shalt  }
0x52: {  	_ =	shalt  }
0x53: {  	_ =	shalt  }
0x54: {  	_ =	shalt  }
0x55: {  	_ =	shalt  }
0x56: {  	_ =	shalt  }
0x57: {  	_ =	shalt  }
0x58: {  	_ =	shalt  }
0x59: {  	_ =	shalt  }
0x5a: {  	_ =	shalt  }
0x5b: {  	_ =	shalt  }
0x5c: {  	_ =	shalt  }
0x5d: {  	_ =	shalt  }
0x5e: {  	_ =	shalt  }
0x5f: {  	_ =	shalt  }
0x60: {  	_ =	shalt  }
0x61: {  	_ =	shalt  }
0x62: {  	_ =	shalt  }
0x63: {  	_ =	shalt  }
0x64: {  	_ =	shalt  }
0x65: {  	_ =	shalt  }
0x66: {  	_ =	shalt  }
0x67: {  	_ =	shalt  }
0x68: {  	_ =	shalt  }
0x69: {  	_ =	shalt  }
0x6a: {  	_ =	shalt  }
0x6b: {  	_ =	shalt  }
0x6c: {  	_ =	shalt  }
0x6d: {  	_ =	shalt  }
0x6e: {  	_ =	shalt  }
0x6f: {  	_ =	shalt  }
0x70: {  	_ =	shalt  }
0x71: {  	_ =	shalt  }
0x72: {  	_ =	shalt  }
0x73: {  	_ =	shalt  }
0x74: {  	_ =	shalt  }
0x75: {  	_ =	shalt  }
0x76: {  	_ =	shalt  }
0x77: {  	_ =	shalt  }
0x78: {  	_ =	shalt  }
0x79: {  	_ =	shalt  }
0x7a: {  	_ =	shalt  }
0x7b: {  	_ =	shalt  }
0x7c: {  	_ =	shalt  }
0x7d: {  	_ =	shalt  }
0x7e: {  	_ =	shalt  }
0x7f: {  	_ =	shalt  }
0x80: {  	_ =	shalt  }
0x81: {  	_ =	shalt  }
0x82: {  	_ =	shalt  }
0x83: {  	_ =	shalt  }
0x84: {  	_ =	shalt  }
0x85: {  	_ =	shalt  }
0x86: {  	_ =	shalt  }
0x87: {  	_ =	shalt  }
.Lfunc_end0:
.L_simem_size_0:
called_computation_lowered:
.L_overlay_start_0:
0x88: {  	s2 =	sld [smem:$0x3FD9]  }
0x89: {  	s3 =	sld [smem:$0x3FFE];
	_ =	sdelay $0x1  }
0x8a: {  	s1 =	srdreg.scid  }
0x8b: {  	s0 =	sand.u32 $0x1, s1  }
0x8c: {  	s17 =	sshll.u32 s0, $0xA;
	s2 =	sadd.s32 s3, s2  }
0x8d: {  	s2 =	sadd.s32 s2, s17  }
0x8e: {  	[smem:$0x3FC7] =	sst s2  }
0x8f: {  	_ = 	snop  }
0x90: {  	s2 =	sld [smem:$0x3FC9];
	(tm) =	ssettm $0x1  }
0x91: {  	s18 =	sld [smem:$0x3FFB];
	_ =	sdelay $0x3  }
0x92: {  	_ =	strace s18  }
0x93: {  	s3 =	sld [smem:$0x3FFC];
	_ =	sdelay $0x3  }
0x94: {  	_ =	strace s3  }
0x95: {  	s3 =	sld [smem:$0x3FFD];
	_ =	sdelay $0x3  }
0x96: {  	_ =	strace s3  }
0x97: {  	_ =	strace $0x8FFFFFFF  }
0x98: {  	s19 =	sld [smem:$0x3FDB];
	_ =	sdelay $0x1  }
0x99: {  	s4 =	simm.s32 $_scs_section_size  }
0x9a: {  	s5 =	simm.s32 $_size__tile_overlayer_lowered;
	s6 =	simm.s32 $_tile_overlayer_lowered  }
0x9b: {  	s22 =	simm.s32 $0x1BFF;
	s21 =	sshll.u32 s6, $0x1;
	s3 =	sadd.s32 s4, s19  }
0x9c: {  	s7 =	simm.s32 $0x0;
	s20 =	sshll.u32 s5, $0x1;
	s5 =	sadd.s32 s21, s3  }
0x9d: {  	[timem:s7], [sflag:s22] =	dma.local [hbm:s5], s20  }
0x9e: {  	_ =	swait.ge [sflag:s22], s20  }
0x9f: {  	s4 =	ssub.s32 $0x0, s20;
	[sflag:s22] =	ssyncset.done $0x0  }
0xa0: {  	[sflag:s22] =	ssyncadd.s32 s4;
	_ =	sdelay $0x1  }
0xa1: {  	s23 =	simm.s32 $0x1B8B  }
0xa2: {  	_ =	swait.ge [sflag:s23], $0x1  }
0xa3: {  	[sflag:s23] =	ssyncset.done $0x0  }
0xa4: {  	s25 =	simm.s32 $0x1B8E;
	s24 =	sld [smem:$0x3FFE];
	[sflag:s23] =	ssyncadd.s32 $0xFFFFFFFF  }
0xa5: {  	s26 =	simm.s32 $execute0_lowered;
	[smem:$0x3FD2] =	sst s25  }
0xa6: {  	s5 =	sshll.u32 s26, $0x1;
	_ =	strace $0x80000046;
	[dreg:$0x1] =	wrdreg $0xFFFFFFFF  }
0xa7: {  	s28 =	simm.s32 $_size_execute0_lowered;
	s3 =	sadd.s32 s3, s5;
	[dreg:$0x0] =	wrdreg $0x0  }
0xa8: {  	s5 =	sshll.u32 s28, $0x1;
	[dreg:$0x2] =	wrdreg s3  }
0xa9: {  	[dreg:$0x3] =	wrdreg s5  }
0xaa: {  	[dreg:$0x4] =	wrdreg $0xC0  }
0xab: {  	_ =	task [dreg:s7], $0x5FFFF  }
0xac: {  	[dreg:$0x1] =	wrdreg $0xFFFFFFFF  }
0xad: {  	[dreg:$0x0] =	wrdreg $0x60  }
0xae: {  	[dreg:$0x2] =	wrdreg s2  }
0xaf: {  	[dreg:$0x3] =	wrdreg s24  }
0xb0: {  	[dreg:$0x4] =	wrdreg $0x9  }
0xb1: {  	_ =	task.clear_ibuf [dreg:s7], $0x5FFFF;
	_ =	strace $0x90000046  }
0xb2: {  	s29 =	simm.s32 $0x9;
	_ =	strace $0x80000048  }
0xb3: {  	_ =	swait.ge [sflag:s29], $0x1  }
0xb4: {  	[sflag:s29] =	ssyncadd.s32 $0xFFFFFFFF  }
0xb5: {  	_ =	strace $0x90000048  }
0xb6: {  	_ =	sfence  }
0xb7: {  	s30 =	sld [smem:$0x0];
	_ =	sdelay $0x2  }
0xb8: {  	s31 =	sshll.u32 s1, $0xD;
	s1 =	sshrl.u32 s1, $0x2  }
0xb9: {  	s3 =	sand.u32 $0x4000, s31;
	s1 =	sadd.s32 s1, s30  }
0xba: {  	s0 =	sor.u32 s3, s0;
	s1 =	sshll.u32 s1, $0x11  }
0xbb: {  	s0 =	sor.u32 s1, s0  }
0xbc: {  	s0 =	sadd.s32 $0x8F2B, s0  }
0xbd: {  	[sflag:s0] =	ssyncadd.remote.s32 $0x1  }
0xbe: {  	_ =	sfence.sel $0xFFFF  }
0xbf: {  	[dreg:$0x0] =	wrdreg $0xFFFFFFFF;
	(pc) =	sbr.abs _section_cstart, $3  }
0xc0: {  	[dreg:$0x1] =	wrdreg $0xFFFFFFFF  }
0xc1: {  	_ =	task.clear_ibuf [dreg:s7], $0x2FFFF;
	_ =	strace $0x9FFFFFFF  }
0xc2: {  	(tm) =	ssettm $0x7FFFFFFF  }
0xc3: {  	_ =	shalt  }
tec
execute0_lowered:
.L_overlay_start_1:
0x0: {  	(tag) =	ssettag $0x1  }
0x1: {  	s1 =	srdreg.scid  }
0x2: {  	s0 =	stileid.u32;
	s5 =	sand.u32 $0x1, s1  }
0x3: {  	s3 =	rddreg [dreg:$0x0];
	s2 =	sshll.u32 s0, $0x8;
	s1 =	sshll.u32 s5, $0xC  }
0x4: {  	s6 =	rddreg [dreg:$0x1];
	s7 =	sor.u32 s2, s1  }
0x5: {  	s1 =	rddreg [dreg:$0x2];
	s2 =	simm.s32 $0x0;
	s4 =	sshrl.u32 s7, $0x3  }
0x6: {  	[smem:$0x7FF] =	sst s2;
	s8 =	sadd.s32 s4, s6  }
0x7: {  	_ =	strace $0x80000047;
	s4 =	simm.s32 $0x2;
	s12 =	sadd.s32 $0xA00, s8  }
0x8: {  	[tilespmem:s2], [sflag:$0x2] =	stream.linear.gather [hbm4b:s12+s2], $0x100, $0x38;
	[tilespmem:$0x8300] =	vst v63  }
0x9: {  	_ =	swait.ge [sflag:s4], $0x100  }
0xa: {  	[sflag:s4] =	ssyncset.done $0x0  }
0xb: {  	s14 =	simm.s32 $0x100;
	s13 =	sadd.s32 $0xE00, s8;
	[sflag:s4] =	ssyncadd.s32 $0xFFFFFF00  }
0xc: {  	[tilespmem:s14], [sflag:$0x2] =	stream.linear.gather [hbm4b:s13+s2], $0x100, $0x38;
	[tilespmem:$0x8300] =	vst v63  }
0xd: {  	_ =	swait.ge [sflag:s4], $0x100  }
0xe: {  	[sflag:s4] =	ssyncset.done $0x0  }
0xf: {  	[sflag:s4] =	ssyncadd.s32 $0xFFFFFF00  }
0x10: {  	v0 =	vld [tilespmem:$0x1F0]  }
0x11: {  	v5 =	vld [tilespmem:$0x130]  }
0x12: {  	v1 =	vld [tilespmem:$0xF0]  }
0x13: {  	v7 =	vld [tilespmem:$0x20]  }
0x14: {  	v2 =	vld [tilespmem:$0x120]  }
0x15: {  	v9 =	vld [tilespmem:$0xE0]  }
0x16: {  	v12 =	vld [tilespmem:$0x0]  }
0x17: {  	v11 =	vld [tilespmem:$0x100]  }
0x18: {  	v3 =	vld [tilespmem:$0x10];
	v4 =	vshra.s32 v0, $0xE;
	v6 =	vshra.s32 v1, $0xE  }
0x19: {  	v8 =	vld [tilespmem:$0x110];
	v1 =	vand.u32 $0x3FFF, v1;
	v0 =	vand.u32 $0x3FFF, v0;
	v17 =	vand.u32 $0x3FFF, v2  }
0x1a: {  	v18 =	vld [tilespmem:$0x1E0];
	v19 =	vshra.s32 v2, $0xE;
	v21 =	vshra.s32 v5, $0xE;
	v2 =	vand.u32 $0x3FFF, v9  }
0x1b: {  	s5 =	ssub.s32 $0x2, s5;
	v20 =	vld [tilespmem:$0x30];
	v23 =	vshra.s32 v9, $0xE;
	v9 =	vand.u32 $0x3FFF, v12;
	v24 =	vand.u32 $0x3FFF, v5  }
0x1c: {  	s31 =	sshrl.u32 s5, $0x1;
	s7 =	sshll.u32 s7, $0x4;
	v22 =	vld [tilespmem:$0x50];
	vm0 =	vlt.s32 v4, v6;
	v1 =	vadd.s32 $0x2000, v1;
	v6 =	vshra.s32 v11, $0xE  }
0x1d: {  	s6 =	sadd.s32 s7, s6;
	s7 =	ssub.s32 s5, s31;
	v10 =	vld [tilespmem:$0x140];
	v4 =	vshra.s32 v3, $0xE;
	v2 =	vadd.s32 $0x2000, v2;
	v13 =	vsel vm0, v0, v1  }
0x1e: {  	s15 =	smax.u32 s7, $0x1;
	v15 =	vld [tilespmem:$0x40];
	v1 =	vand.u32 $0x3FFF, v3;
	v0 =	vshra.s32 v8, $0xE;
	v3 =	vand.u32 $0x3FFF, v8  }
0x1f: {  	p0 =	sne.s32 s15, $0x1;
	v14 =	vld [tilespmem:$0x80];
	v8 =	vshra.s32 v12, $0xE;
	v12 =	vand.u32 $0x3FFF, v7;
	v7 =	vshra.s32 v7, $0xE  }
.Ltmp0:
0x20: {  	v16 =	vld [tilespmem:$0x150];
	v1 =	vadd.s32 $0x2000, v1;
	v5 =	vadd.s32 $0x2000, v12;
	vm0 =	vlt.s32 v19, v7;
	(pc) =	sbr.rel @!p0 .LBB2_2-.Ltmp0, $4  }
0x21: {  	v19 =	vshra.s32 v18, $0xE;
	v12 =	vand.u32 $0x3FFF, v11;
	v11 =	vld [tilespmem:$0x170];
	v25 =	vsel vm0, v17, v5  }
0x22: {  	s9 =	simm.s32 $0x280;
	s11 =	simm.s32 $0x4300;
	v7 =	vld [tilespmem:$0x70];
	v17 =	vand.u32 $0x3FFF, v20;
	v20 =	vshra.s32 v20, $0xE;
	v5 =	vand.u32 $0x3FFF, v18  }
0x23: {  	s10 =	simm.s32 $0x1;
	s5 =	sadd.s32 $0x1200, s6;
	s6 =	simm.s32 $0x80;
	[tilespmem:$0x2F0] =	vst v13;
	vm0 =	vlt.s32 v19, v23;
	v19 =	vld [tilespmem:$0x60];
	vm1 =	vlt.s32 v21, v20;
	v13 =	vadd.s32 $0x2000, v17  }
0x24: {  	s8 =	simm.s32 $0x200;
	s7 =	simm.s32 $0x300;
	s15 =	sadd.s32 $0xFFFFFFFF, s15;
	v17 =	vld [tilespmem:$0x160];
	[tilespmem:$0x220] =	vst v25;
	v20 =	vand.u32 $0x3FFF, v22;
	v18 =	vsel vm1, v24, v13;
	v13 =	vshra.s32 v22, $0xE  }
.LBB2_1:
0x25: {  	p0 =	sne.s32 s15, $0x1;
	s15 =	sadd.s32 $0xFFFFFFFF, s15;
	[tilespmem:$0x230] =	vst v18;
	v18 =	vshra.s32 v15, $0xE;
	v15 =	vand.u32 $0x3FFF, v15;
	v20 =	vadd.s32 $0x2000, v20  }
0x26: {  	v21 =	vshra.s32 v10, $0xE;
	v22 =	vshra.s32 v16, $0xE;
	v23 =	vand.u32 $0x3FFF, v14  }
0x27: {  	v10 =	vand.u32 $0x3FFF, v10;
	v14 =	vshra.s32 v14, $0xE;
	v15 =	vadd.s32 $0x2000, v15;
	v24 =	vld [tilespmem:$0x1B0]  }
0x28: {  	v16 =	vand.u32 $0x3FFF, v16;
	vm2 =	vlt.s32 v21, v18;
	v21 =	vadd.s32 $0x2000, v23;
	v18 =	vld [tilespmem:$0x180]  }
0x29: {  	vm1 =	vlt.s32 v6, v8;
	v6 =	vadd.s32 $0x2000, v9;
	v8 =	vand.u32 $0x3FFF, v11;
	v9 =	vld [tilespmem:$0xB0]  }
0x2a: {  	v6 =	vsel vm1, v12, v6;
	v11 =	vshra.s32 v11, $0xE;
	v12 =	vshra.s32 v19, $0xE;
	v23 =	vld [tilespmem:$0x1A0]  }
0x2b: {  	v25 =	vand.u32 $0x3FFF, v7;
	[tilespmem:$0x200] =	vst v6;
	v6 =	vand.u32 $0x3FFF, v19;
	v19 =	vshra.s32 v17, $0xE;
	v26 =	vld [tilespmem:$0xA0]  }
0x2c: {  	v17 =	vand.u32 $0x3FFF, v17;
	v6 =	vadd.s32 $0x2000, v6;
	v27 =	vld [tilespmem:$0x190];
	v28 =	vand.u32 $0x3FFF, v24  }
0x2d: {  	vm3 =	vlt.s32 v19, v12;
	v12 =	vadd.s32 $0x2000, v25;
	v24 =	vshra.s32 v24, $0xE;
	v19 =	vld [tilespmem:$0x90]  }
0x2e: {  	vm1 =	vlt.s32 v22, v13;
	v6 =	vsel vm3, v17, v6;
	v13 =	vshra.s32 v18, $0xE  }
0x2f: {  	vm3 =	vlt.s32 v0, v4;
	v0 =	vshra.s32 v7, $0xE;
	v4 =	vand.u32 $0x3FFF, v18;
	[tilespmem:$0x260] =	vst v6  }
0x30: {  	v1 =	vsel vm3, v3, v1;
	v3 =	vsel vm2, v10, v15;
	v6 =	vand.u32 $0x3FFF, v9;
	v7 =	vld [tilespmem:$0x1D0]  }
0x31: {  	v2 =	vsel vm0, v5, v2;
	vm2 =	vlt.s32 v13, v14;
	[tilespmem:$0x240] =	vst v3;
	v3 =	vshra.s32 v9, $0xE  }
0x32: {  	v4 =	vsel vm2, v4, v21;
	v5 =	vshra.s32 v19, $0xE;
	v9 =	vand.u32 $0x3FFF, v19;
	v10 =	vld [tilespmem:$0xD0]  }
0x33: {  	v14 =	vand.u32 $0x3FFF, v23;
	v13 =	vand.u32 $0x3FFF, v27;
	v9 =	vadd.s32 $0x2000, v9;
	v15 =	vld [tilespmem:$0x1C0];
	[tilespmem:$0x2E0] =	vst v2  }
0x34: {  	v17 =	vshra.s32 v23, $0xE;
	v2 =	vand.u32 $0x3FFF, v26;
	[tilespmem:$0x210] =	vst v1;
	v1 =	vshra.s32 v26, $0xE;
	v18 =	vld [tilespmem:$0xC0]  }
0x35: {  	vm0 =	vlt.s32 v11, v0;
	v0 =	vshra.s32 v27, $0xE;
	v11 =	vshra.s32 v7, $0xE  }
0x36: {  	v8 =	vsel vm0, v8, v12;
	vm0 =	vlt.s32 v17, v1;
	v1 =	vadd.s32 $0x2000, v2  }
0x37: {  	v2 =	vadd.s32 $0x2000, v6;
	v1 =	vsel vm0, v14, v1;
	vm0 =	vlt.s32 v24, v3;
	[tilespmem:$0x280] =	vst v4  }
0x38: {  	v3 =	vsel vm1, v16, v20;
	v2 =	vsel vm0, v28, v2;
	[tilespmem:$0x270] =	vst v8;
	v4 =	vand.u32 $0x3FFF, v15  }
0x39: {  	v8 =	vshra.s32 v15, $0xE;
	[tilespmem:$0x250] =	vst v3;
	v3 =	vshra.s32 v18, $0xE;
	v6 =	vand.u32 $0x3FFF, v18  }
0x3a: {  	[tilespmem:$0x2A0] =	vst v1;
	vm0 =	vlt.s32 v8, v3;
	v1 =	vadd.s32 $0x2000, v6;
	v3 =	vand.u32 $0x3FFF, v10  }
0x3b: {  	[tilespmem:$0x2B0] =	vst v2;
	v1 =	vsel vm0, v4, v1;
	v2 =	vshra.s32 v10, $0xE;
	v3 =	vadd.s32 $0x2000, v3  }
0x3c: {  	vm0 =	vlt.s32 v0, v5;
	v0 =	vand.u32 $0x3FFF, v7;
	[tilespmem:$0x2C0] =	vst v1;
	vm1 =	vlt.s32 v11, v2  }
0x3d: {  	v1 =	vsel vm0, v13, v9;
	v0 =	vsel vm1, v0, v3  }
0x3e: {  	[tilespmem:$0x2D0] =	vst v0  }
0x3f: {  	[tilespmem:$0x290] =	vst v1  }
0x40: {  	[tilespmem:s7], [sflag:$0x1] =	stream.indirect.gather [hbm4b:s3+s6], $0x80, s8, s6, $0xb8;
	[tilespmem:$0x8300] =	vst v63  }
0x41: {  	_ = 	snop  }
0x42: {  	[tilespmem:s11], [sflag:$0x1] =	stream.indirect.gather [hbm4b:s3+s6], $0x80, s9, s6, $0xb8;
	[tilespmem:$0x8300] =	vst v63  }
0x43: {  	_ =	swait.ge [sflag:s10], $0x4000  }
0x44: {  	[sflag:s10] =	ssyncset.done $0x0  }
0x45: {  	[sflag:s10] =	ssyncadd.s32 $0xFFFFC000  }
0x46: {  	_ =	swait.ge [sflag:s10], $0x4000  }
0x47: {  	[sflag:s10] =	ssyncset.done $0x0  }
0x48: {  	[sflag:s10] =	ssyncadd.s32 $0xFFFFC000  }
0x49: {  	[hbm4b:s5+s2] =	stream.linear.scatter [tilespmem:s7], [sflag:$0x2], $0x8000, $0x38;
	[tilespmem:$0x8300] =	vst v63  }
0x4a: {  	_ =	swait.ge [sflag:s4], $0x8000  }
0x4b: {  	[sflag:s4] =	ssyncset.done $0x0  }
0x4c: {  	[sflag:s4] =	ssyncadd.s32 $0xFFFF8000  }
0x4d: {  	[tilespmem:s2], [sflag:$0x2] =	stream.linear.gather [hbm4b:s12+s2], $0x100, $0x38;
	[tilespmem:$0x8300] =	vst v63  }
0x4e: {  	_ =	swait.ge [sflag:s4], $0x100  }
0x4f: {  	[sflag:s4] =	ssyncset.done $0x0  }
0x50: {  	[sflag:s4] =	ssyncadd.s32 $0xFFFFFF00  }
0x51: {  	[tilespmem:s14], [sflag:$0x2] =	stream.linear.gather [hbm4b:s13+s2], $0x100, $0x38;
	[tilespmem:$0x8300] =	vst v63  }
0x52: {  	_ =	swait.ge [sflag:s4], $0x100  }
0x53: {  	[sflag:s4] =	ssyncset.done $0x0  }
0x54: {  	[sflag:s4] =	ssyncadd.s32 $0xFFFFFF00  }
0x55: {  	v0 =	vld [tilespmem:$0x1F0]  }
0x56: {  	v5 =	vld [tilespmem:$0x130]  }
0x57: {  	v1 =	vld [tilespmem:$0xF0]  }
0x58: {  	v7 =	vld [tilespmem:$0x20]  }
0x59: {  	v2 =	vld [tilespmem:$0x120]  }
0x5a: {  	v3 =	vld [tilespmem:$0x10];
	v4 =	vshra.s32 v0, $0xE  }
0x5b: {  	v0 =	vand.u32 $0x3FFF, v0;
	v8 =	vld [tilespmem:$0x110]  }
0x5c: {  	v11 =	vld [tilespmem:$0x100];
	v6 =	vshra.s32 v1, $0xE;
	v1 =	vand.u32 $0x3FFF, v1  }
0x5d: {  	v9 =	vld [tilespmem:$0xE0];
	vm0 =	vlt.s32 v4, v6;
	v1 =	vadd.s32 $0x2000, v1  }
0x5e: {  	v12 =	vld [tilespmem:$0x0];
	v0 =	vsel vm0, v0, v1  }
0x5f: {  	v13 =	vand.u32 $0x3FFF, v2;
	v17 =	vld [tilespmem:$0x1E0];
	[tilespmem:$0x2F0] =	vst v0  }
0x60: {  	v18 =	vshra.s32 v2, $0xE;
	v1 =	vand.u32 $0x3FFF, v3;
	v0 =	vshra.s32 v8, $0xE;
	v19 =	vld [tilespmem:$0x30]  }
0x61: {  	v20 =	vshra.s32 v5, $0xE;
	v1 =	vadd.s32 $0x2000, v1;
	v6 =	vshra.s32 v11, $0xE;
	v21 =	vld [tilespmem:$0x50]  }
0x62: {  	v4 =	vshra.s32 v3, $0xE;
	v3 =	vand.u32 $0x3FFF, v8;
	v10 =	vld [tilespmem:$0x140];
	v2 =	vand.u32 $0x3FFF, v9  }
0x63: {  	v22 =	vshra.s32 v9, $0xE;
	v8 =	vshra.s32 v12, $0xE;
	v15 =	vld [tilespmem:$0x40];
	v2 =	vadd.s32 $0x2000, v2  }
0x64: {  	v23 =	vand.u32 $0x3FFF, v5;
	v9 =	vand.u32 $0x3FFF, v12;
	v12 =	vand.u32 $0x3FFF, v7;
	v14 =	vld [tilespmem:$0x80]  }
.Ltmp1:
0x65: {  	v5 =	vshra.s32 v7, $0xE;
	v7 =	vadd.s32 $0x2000, v12;
	v24 =	vshra.s32 v17, $0xE;
	v16 =	vld [tilespmem:$0x150];
	(pc) =	sbr.rel @p0 .LBB2_1-.Ltmp1, $4  }
0x66: {  	vm0 =	vlt.s32 v18, v5;
	v12 =	vand.u32 $0x3FFF, v11;
	v18 =	vand.u32 $0x3FFF, v19;
	v11 =	vld [tilespmem:$0x170]  }
0x67: {  	v5 =	vand.u32 $0x3FFF, v17;
	v13 =	vsel vm0, v13, v7;
	v19 =	vshra.s32 v19, $0xE;
	v7 =	vld [tilespmem:$0x70]  }
0x68: {  	vm0 =	vlt.s32 v24, v22;
	vm1 =	vlt.s32 v20, v19;
	[tilespmem:$0x220] =	vst v13;
	v13 =	vadd.s32 $0x2000, v18;
	v17 =	vld [tilespmem:$0x160]  }
0x69: {  	v20 =	vand.u32 $0x3FFF, v21;
	v18 =	vsel vm1, v23, v13;
	v13 =	vshra.s32 v21, $0xE;
	v19 =	vld [tilespmem:$0x60]  }
.LBB2_2:
0x6a: {  	v21 =	vshra.s32 v15, $0xE  }
0x6b: {  	v48 =	vand.u32 $0x3FFF, v15;
	v20 =	vadd.s32 $0x2000, v20;
	v22 =	vshra.s32 v10, $0xE  }
0x6c: {  	v23 =	vshra.s32 v16, $0xE;
	v24 =	vand.u32 $0x3FFF, v14;
	v49 =	vand.u32 $0x3FFF, v10;
	v25 =	vld [tilespmem:$0x1B0]  }
0x6d: {  	v50 =	vshra.s32 v14, $0xE;
	v16 =	vand.u32 $0x3FFF, v16;
	vm1 =	vlt.s32 v6, v8;
	v52 =	vld [tilespmem:$0x180]  }
0x6e: {  	v51 =	vadd.s32 $0x2000, v9;
	v55 =	vld [tilespmem:$0xB0];
	vm3 =	vlt.s32 v0, v4;
	v2 =	vsel vm0, v5, v2  }
0x6f: {  	v59 =	vld [tilespmem:$0x1A0];
	v15 =	vadd.s32 $0x2000, v48;
	vm2 =	vlt.s32 v22, v21;
	v53 =	vadd.s32 $0x2000, v24  }
0x70: {  	v28 =	vld [tilespmem:$0x190];
	v54 =	vand.u32 $0x3FFF, v11;
	v6 =	vsel vm1, v12, v51;
	v57 =	vshra.s32 v11, $0xE  }
0x71: {  	v63 =	vld [tilespmem:$0x90];
	vm8 =	vlt.s32 v23, v13;
	v1 =	vsel vm3, v3, v1;
	v27 =	vand.u32 $0x3FFF, v7  }
0x72: {  	v30 =	vld [tilespmem:$0xA0];
	v32 =	vshra.s32 v7, $0xE;
	v34 =	vsel vm2, v49, v15;
	v62 =	vadd.s32 $0x2000, v27  }
0x73: {  	v36 =	vld [tilespmem:$0x1D0];
	vm10 =	vlt.s32 v57, v32;
	v56 =	vshra.s32 v19, $0xE;
	v58 =	vand.u32 $0x3FFF, v19  }
0x74: {  	v41 =	vld [tilespmem:$0x1C0];
	v26 =	vshra.s32 v17, $0xE;
	v60 =	vand.u32 $0x3FFF, v17;
	v19 =	vadd.s32 $0x2000, v58  }
0x75: {  	v45 =	vld [tilespmem:$0xC0];
	vm7 =	vlt.s32 v26, v56;
	v61 =	vand.u32 $0x3FFF, v25;
	v25 =	vshra.s32 v25, $0xE  }
0x76: {  	v31 =	vshra.s32 v52, $0xE;
	v33 =	vand.u32 $0x3FFF, v52;
	v35 =	vand.u32 $0x3FFF, v55  }
0x77: {  	[tilespmem:$0x230] =	vst v18;
	v37 =	vshra.s32 v55, $0xE;
	v38 =	vshra.s32 v63, $0xE;
	v39 =	vand.u32 $0x3FFF, v63  }
0x78: {  	[tilespmem:$0x2E0] =	vst v2;
	v40 =	vand.u32 $0x3FFF, v28;
	v42 =	vand.u32 $0x3FFF, v59;
	v43 =	vshra.s32 v30, $0xE  }
0x79: {  	[tilespmem:$0x200] =	vst v6;
	v44 =	vand.u32 $0x3FFF, v30;
	v46 =	vshra.s32 v59, $0xE;
	v47 =	vshra.s32 v28, $0xE  }
0x7a: {  	v48 =	vld [tilespmem:$0xD0];
	[tilespmem:$0x210] =	vst v1;
	v49 =	vshra.s32 v36, $0xE;
	v55 =	vand.u32 $0x3FFF, v45;
	v56 =	vshra.s32 v41, $0xE  }
0x7b: {  	[tilespmem:$0x240] =	vst v34;
	v12 =	vand.u32 $0x3FFF, v41;
	v17 =	vsel vm7, v60, v19;
	vm9 =	vlt.s32 v31, v50  }
0x7c: {  	v50 =	vsel vm10, v54, v62;
	vm11 =	vlt.s32 v46, v43;
	v51 =	vadd.s32 $0x2000, v44;
	[tilespmem:$0x260] =	vst v17  }
0x7d: {  	vm12 =	vlt.s32 v25, v37;
	v52 =	vadd.s32 $0x2000, v35;
	v4 =	vsel vm9, v33, v53;
	[tilespmem:$0x270] =	vst v50  }
0x7e: {  	v54 =	vshra.s32 v45, $0xE;
	v57 =	vadd.s32 $0x2000, v55;
	v53 =	vsel vm8, v16, v20;
	[tilespmem:$0x280] =	vst v4  }
0x7f: {  	v58 =	vand.u32 $0x3FFF, v48;
	v59 =	vshra.s32 v48, $0xE;
	v1 =	vsel vm11, v42, v51;
	[tilespmem:$0x250] =	vst v53  }
0x80: {  	v60 =	vand.u32 $0x3FFF, v36;
	v3 =	vsel vm12, v61, v52;
	vm13 =	vlt.s32 v56, v54;
	[tilespmem:$0x2A0] =	vst v1  }
0x81: {  	vm15 =	vlt.s32 v47, v38;
	v61 =	vadd.s32 $0x2000, v39;
	v4 =	vsel vm13, v12, v57;
	[tilespmem:$0x2B0] =	vst v3  }
0x82: {  	vm14 =	vlt.s32 v49, v59;
	v1 =	vadd.s32 $0x2000, v58;
	v63 =	vsel vm15, v40, v61;
	[tilespmem:$0x2C0] =	vst v4  }
0x83: {  	v62 =	vsel vm14, v60, v1;
	[tilespmem:$0x290] =	vst v63  }
0x84: {  	[tilespmem:$0x2D0] =	vst v62  }
0x85: {  	[tilespmem:s7], [sflag:$0x1] =	stream.indirect.gather [hbm4b:s3+s6], $0x80, s8, s6, $0xb8;
	[tilespmem:$0x8300] =	vst v63  }
0x86: {  	_ = 	snop  }
0x87: {  	[tilespmem:s11], [sflag:$0x1] =	stream.indirect.gather [hbm4b:s3+s6], $0x80, s9, s6, $0xb8;
	[tilespmem:$0x8300] =	vst v63  }
0x88: {  	_ =	swait.ge [sflag:s10], $0x4000  }
0x89: {  	[sflag:s10] =	ssyncset.done $0x0  }
0x8a: {  	[sflag:s10] =	ssyncadd.s32 $0xFFFFC000  }
0x8b: {  	_ =	swait.ge [sflag:s10], $0x4000  }
0x8c: {  	[sflag:s10] =	ssyncset.done $0x0  }
0x8d: {  	[sflag:s10] =	ssyncadd.s32 $0xFFFFC000  }
0x8e: {  	[hbm4b:s5+s2] =	stream.linear.scatter [tilespmem:s7], [sflag:$0x2], $0x8000, $0x38;
	[tilespmem:$0x8300] =	vst v63  }
0x8f: {  	_ =	swait.ge [sflag:s4], $0x8000  }
0x90: {  	[sflag:s4] =	ssyncset.done $0x0  }
0x91: {  	[sflag:s4] =	ssyncadd.s32 $0xFFFF8000  }
0x92: {  	_ =	sfence.sel $0x180000  }
0x93: {  	[bflag:$0x0] =	sbarrier.arrive $0xFFFF  }
0x94: {  	p0 =	sne.s32 s0, $0x0;
	_ =	strace $0x90000047  }
0x95: {  	s0 =	sadd.s32 @!p0 $0x100000, s1;
	[bflag:$0x2] =	sbarrier.arrive $0xFFFF  }
0x96: {  	[sflag:s0] =	ssyncadd.tile.s32 @!p0 $0x1;
	_ =	shalt  }
.Lfunc_end2:
_tile_overlayer_lowered:
.L_overlay_start_2:
0x97: {  	(tag) =	ssettag $0x2  }
0x98: {  	s0 =	rddreg [dreg:$0x0];
	s2 =	stileid.u32  }
0x99: {  	s1 =	rddreg [dreg:$0x1];
	p0 =	sne.s32 s2, $0x0  }
0x9a: {  	s3 =	rddreg [dreg:$0x2];
	[bflag:$0x3] =	sbarrier.arrive $0xFFFF;
	s2 =	simm.s32 @!p0 $0x1C02  }
0x9b: {  	[timem:s3], [sflag:s2] =	dma.local @!p0 [hbm:s0], s1  }
0x9c: {  	s0 =	simm.s32 @!p0 $0x2  }
0x9d: {  	_ =	swait.ge @!p0 [sflag:s0], s1  }
0x9e: {  	s1 =	ssub.s32 @!p0 $0x0, s1;
	[sflag:s0] =	ssyncset.done @!p0 $0x0  }
0x9f: {  	[sflag:s0] =	ssyncadd.s32 @!p0 s1  }
0xa0: {  	[bflag:$0x3] =	sbarrier.arrive $0xFFFF  }
0xa1: {  	_ =	shalt  }

</sc_bundles>
